<compile_context>
chip_gen: v7x
topology: tpu7x:2x2x1
jax: 0.10.2.dev20260603
libtpu: 0.0.44.dev20260713+nightly
codegen_flags: <defaults>
</compile_context>

<pallas_src>
import functools

import jax
import jax.numpy as jnp
from jax import lax
from jax.experimental import pallas as pl
from jax.experimental.pallas import tpu as pltpu
from jax.experimental.pallas import tpu_sc as plsc

N = 1_600_000
G = 64
NUM_WORKERS = 32
PER = N // NUM_WORKERS
LANES = 16
LR = 0.01
NCHUNK = 5
CHUNK = PER // NCHUNK
UNROLL = 5

@functools.cache
def _make_segment_partials():
    mesh = plsc.VectorSubcoreMesh(core_axis_name="c", subcore_axis_name="s",
                                  num_cores=2, num_subcores=16)
    return pl.kernel(
        _segment_partials_body,
        mesh=mesh,
        compiler_params=pltpu.CompilerParams(use_tc_tiling_on_sc=False,
                                             needs_layout_passes=False),
        out_type=[
            jax.ShapeDtypeStruct((NUM_WORKERS, LANES * G), jnp.float32),
            jax.ShapeDtypeStruct((NUM_WORKERS, LANES * G), jnp.float32),
        ],
        scratch_types=[
            pltpu.VMEM((CHUNK,), jnp.float32),
            pltpu.VMEM((CHUNK,), jnp.float32),
            pltpu.VMEM((CHUNK,), jnp.int32),
            pltpu.VMEM((CHUNK,), jnp.int32),
            pltpu.VMEM((LANES * G,), jnp.float32),
            pltpu.VMEM((LANES * G,), jnp.float32),
            pltpu.SemaphoreType.DMA,
            pltpu.SemaphoreType.DMA,
            pltpu.SemaphoreType.DMA,
            pltpu.SemaphoreType.DMA,
        ],
    )


def _segment_partials_body(loss_hbm, groups_hbm, sums_out, cnts_out,
                           la, lb, ga, gb, sacc, cacc,
                           sla, slb, sga, sgb):
    wid = lax.axis_index("s") * 2 + lax.axis_index("c")
    base = wid * PER
    lbufs = (la, lb)
    gbufs = (ga, gb)
    lsems = (sla, slb)
    gsems = (sga, sgb)

    def start(c):
        b = c % 2
        src = pl.ds(base + c * CHUNK, CHUNK)
        return (
            pltpu.async_copy(loss_hbm.at[src], lbufs[b], lsems[b]),
            pltpu.async_copy(groups_hbm.at[src], gbufs[b], gsems[b]),
        )

    pending = {0: start(0)}

    zero = jnp.zeros((LANES,), jnp.float32)
    for k in range(G):
        sacc[pl.ds(k * LANES, LANES)] = zero
        cacc[pl.ds(k * LANES, LANES)] = zero

    lane = lax.iota(jnp.int32, LANES)
    ones = jnp.full((LANES,), 1.0, jnp.float32)

    for c in range(NCHUNK):
        if c + 1 < NCHUNK:
            pending[c + 1] = start(c + 1)
        cpl, cpg = pending.pop(c)
        cpl.wait()
        cpg.wait()
        lB = lbufs[c % 2]
        gB = gbufs[c % 2]

        def body(i, carry):
            s0 = i * (LANES * UNROLL)
            for u in range(UNROLL):
                s = s0 + u * LANES
                g = gB[pl.ds(s, LANES)]
                lv = lB[pl.ds(s, LANES)]
                idx = g * LANES + lane
                plsc.addupdate_scatter(sacc, [idx], lv)
                plsc.addupdate_scatter(cacc, [idx], ones)
            return carry

        lax.fori_loop(0, CHUNK // (LANES * UNROLL), body, 0)

    pltpu.sync_copy(sacc, sums_out.at[wid])
    pltpu.sync_copy(cacc, cnts_out.at[wid])


def _finalize(sums_ref, cnts_ref, gw_ref, out_ref):
    srow = jnp.sum(sums_ref[...], axis=0, keepdims=True)
    crow = jnp.sum(cnts_ref[...], axis=0, keepdims=True)
    col_g = lax.broadcasted_iota(jnp.int32, (G, LANES * G), 1) // LANES
    row_g = lax.broadcasted_iota(jnp.int32, (G, LANES * G), 0)
    mask = col_g == row_g
    gs = jnp.sum(jnp.where(mask, jnp.broadcast_to(srow, (G, LANES * G)), 0.0),
                 axis=1, keepdims=True)
    gc = jnp.sum(jnp.where(mask, jnp.broadcast_to(crow, (G, LANES * G)), 0.0),
                 axis=1, keepdims=True)
    gl = jnp.where(gc > 0, gs / jnp.maximum(gc, 1.0), 0.0)
    w = gw_ref[...] * jnp.exp(LR * gl)
    nrm = jnp.sqrt(jnp.sum(w * w))
    r = jnp.sum(gl * w) / jnp.maximum(nrm, 1e-12)
    out_ref[...] = jnp.broadcast_to(r, (1, 1))


@jax.jit
def kernel(loss, groups, group_weights):
    sums, cnts = _make_segment_partials()(loss, groups)
    out = pl.pallas_call(
        _finalize,
        out_shape=jax.ShapeDtypeStruct((1, 1), jnp.float32),
    )(sums, cnts, group_weights.reshape(G, 1))
    return out[0, 0]

# --- scband reference (transcript-rebuilt; emitter-appended) ---
"""Pipeline reference for scband-group-weighted-loss-33406255628470 (READ-ONLY COPY).

The authoritative reference and input builder live on the scoring server;
editing this copy changes nothing except your own understanding.
"""

import jax, jax.numpy as jnp
import numpy as np

NUM_GROUPS = 64
GROUP_WEIGHT_LR = 0.01  # original code references undefined self.group_weight_lr; fixed constant here


def setup_inputs(seed: int = 0) -> dict:
    key = jax.random.key(seed)
    k1, k2 = jax.random.split(key)
    N = 1600000
    loss = jax.random.normal(k1, (N,), dtype=jnp.float32)
    groups = jax.random.randint(k2, (N,), 0, NUM_GROUPS, dtype=jnp.int32)
    # learned/state parameter: group_weights initialized as p=1-normalized ones
    group_weights = jnp.ones((NUM_GROUPS,), dtype=jnp.float32) / NUM_GROUPS
    return {"loss": loss, "groups": groups, "group_weights": group_weights}


def reference(loss, groups, group_weights):
    # per-group mean of loss (masked mean per group == segment mean; empty groups contribute 0)
    sums = jax.ops.segment_sum(loss, groups, num_segments=NUM_GROUPS)
    counts = jax.ops.segment_sum(jnp.ones_like(loss), groups, num_segments=NUM_GROUPS)
    group_loss = jnp.where(counts > 0, sums / jnp.maximum(counts, 1.0), 0.0)
    # update_group_weights: w <- normalize(w * exp(lr * group_loss)) (F.normalize default p=2)
    new_w = group_weights * jnp.exp(GROUP_WEIGHT_LR * group_loss)
    new_w = new_w / jnp.maximum(jnp.linalg.norm(new_w), 1e-12)
    # weighted sum with the UPDATED weights, as in the original forward
    out = jnp.sum(group_loss * new_w)
    return out

if __name__ == "__main__":
    import jax
    _d = setup_inputs()
    print(jax.jit(kernel)(*tuple(_d.values())))

</pallas_src>

<mosaic_0001>
#map = affine_map<(d0, d1) -> (0)>
#map1 = affine_map<(d0, d1) -> (0, 0)>
module attributes {stable_mosaic.version = 14 : i64} {
  func.func @_segment_partials_body(%arg0: i32, %arg1: i32, %arg2: memref<1600000xf32, #tpu.memory_space<hbm>>, %arg3: memref<1600000xi32, #tpu.memory_space<hbm>>, %arg4: memref<32x1024xf32, #tpu.memory_space<hbm>>, %arg5: memref<32x1024xf32, #tpu.memory_space<hbm>>, %arg6: memref<10000xf32, #tpu.memory_space<vmem>>, %arg7: memref<10000xf32, #tpu.memory_space<vmem>>, %arg8: memref<10000xi32, #tpu.memory_space<vmem>>, %arg9: memref<10000xi32, #tpu.memory_space<vmem>>, %arg10: memref<1024xf32, #tpu.memory_space<vmem>>, %arg11: memref<1024xf32, #tpu.memory_space<vmem>>, %arg12: memref<!tpu.dma_semaphore, #tpu.memory_space<semaphore_mem>>, %arg13: memref<!tpu.dma_semaphore, #tpu.memory_space<semaphore_mem>>, %arg14: memref<!tpu.dma_semaphore, #tpu.memory_space<semaphore_mem>>, %arg15: memref<!tpu.dma_semaphore, #tpu.memory_space<semaphore_mem>>) attributes {dimension_semantics = [#tpu.dimension_semantics<core_parallel>, #tpu.dimension_semantics<subcore_parallel>], iteration_bounds = array<i64: 2, 16>, scalar_prefetch = 0 : i64, scratch_operands = 10 : i64, tpu.core_type = #tpu.core_type<sc_vector_subcore>, window_params = [{transform_indices = #map}, {transform_indices = #map}, {transform_indices = #map1}, {transform_indices = #map1}]} {
    %mul3A = arith.constant 2 : i32
    %mul3A_0 = arith.muli %arg1, %mul3A : i32
    %add3A = arith.addi %mul3A_0, %arg0 : i32
    %mul3A_1 = arith.constant 50000 : i32
    %mul3A_2 = arith.muli %add3A, %mul3A_1 : i32
    %add3A_3 = arith.constant 0 : i32
    %add3A_4 = arith.addi %mul3A_2, %add3A_3 : i32
    %dma_start3A = tpu.memref_slice %arg2[%add3A_4] : memref<1600000xf32, #tpu.memory_space<hbm>> -> memref<10000xf32, #tpu.memory_space<hbm>>
    %dma_start3A_5 = tpu.memref_slice %arg2[%add3A_4] : memref<1600000xf32, #tpu.memory_space<hbm>> -> memref<10000xf32, #tpu.memory_space<hbm>>
    tpu.enqueue_dma source(%dma_start3A_5 : memref<10000xf32, #tpu.memory_space<hbm>>) target(%arg6 : memref<10000xf32, #tpu.memory_space<vmem>>) target_semaphore(%arg12 : memref<!tpu.dma_semaphore, #tpu.memory_space<semaphore_mem>>)
    %dma_start3A_6 = tpu.memref_slice %arg3[%add3A_4] : memref<1600000xi32, #tpu.memory_space<hbm>> -> memref<10000xi32, #tpu.memory_space<hbm>>
    %dma_start3A_7 = tpu.memref_slice %arg3[%add3A_4] : memref<1600000xi32, #tpu.memory_space<hbm>> -> memref<10000xi32, #tpu.memory_space<hbm>>
    tpu.enqueue_dma source(%dma_start3A_7 : memref<10000xi32, #tpu.memory_space<hbm>>) target(%arg8 : memref<10000xi32, #tpu.memory_space<vmem>>) target_semaphore(%arg14 : memref<!tpu.dma_semaphore, #tpu.memory_space<semaphore_mem>>)
    %broadcast_in_dim3A = arith.constant 0.000000e+00 : f32
    %broadcast_in_dim3A_8 = vector.broadcast %broadcast_in_dim3A : f32 to vector<16xf32>
    %swap3A = arith.constant 0 : index
    %swap3A_9 = tpu.vector_load %arg10[%swap3A] {strides = array<i32>} : memref<1024xf32, #tpu.memory_space<vmem>>, vector<16xf32>,
    tpu.vector_store %arg10[%swap3A], %broadcast_in_dim3A_8 {strides = array<i32>} : memref<1024xf32, #tpu.memory_space<vmem>>, vector<16xf32>,
    %swap3A_10 = arith.constant 0 : index
    %swap3A_11 = tpu.vector_load %arg11[%swap3A_10] {strides = array<i32>} : memref<1024xf32, #tpu.memory_space<vmem>>, vector<16xf32>,
    tpu.vector_store %arg11[%swap3A_10], %broadcast_in_dim3A_8 {strides = array<i32>} : memref<1024xf32, #tpu.memory_space<vmem>>, vector<16xf32>,
    %swap3A_12 = arith.constant 16 : index
    %swap3A_13 = tpu.vector_load %arg10[%swap3A_12] {strides = array<i32>} : memref<1024xf32, #tpu.memory_space<vmem>>, vector<16xf32>,
    tpu.vector_store %arg10[%swap3A_12], %broadcast_in_dim3A_8 {strides = array<i32>} : memref<1024xf32, #tpu.memory_space<vmem>>, vector<16xf32>,
    %swap3A_14 = arith.constant 16 : index
    %swap3A_15 = tpu.vector_load %arg11[%swap3A_14] {strides = array<i32>} : memref<1024xf32, #tpu.memory_space<vmem>>, vector<16xf32>,
    tpu.vector_store %arg11[%swap3A_14], %broadcast_in_dim3A_8 {strides = array<i32>} : memref<1024xf32, #tpu.memory_space<vmem>>, vector<16xf32>,
    %swap3A_16 = arith.constant 32 : index
    %swap3A_17 = tpu.vector_load %arg10[%swap3A_16] {strides = array<i32>} : memref<1024xf32, #tpu.memory_space<vmem>>, vector<16xf32>,
    tpu.vector_store %arg10[%swap3A_16], %broadcast_in_dim3A_8 {strides = array<i32>} : memref<1024xf32, #tpu.memory_space<vmem>>, vector<16xf32>,
    %swap3A_18 = arith.constant 32 : index
    %swap3A_19 = tpu.vector_load %arg11[%swap3A_18] {strides = array<i32>} : memref<1024xf32, #tpu.memory_space<vmem>>, vector<16xf32>,
    tpu.vector_store %arg11[%swap3A_18], %broadcast_in_dim3A_8 {strides = array<i32>} : memref<1024xf32, #tpu.memory_space<vmem>>, vector<16xf32>,
    %swap3A_20 = arith.constant 48 : index
    %swap3A_21 = tpu.vector_load %arg10[%swap3A_20] {strides = array<i32>} : memref<1024xf32, #tpu.memory_space<vmem>>, vector<16xf32>,
    tpu.vector_store %arg10[%swap3A_20], %broadcast_in_dim3A_8 {strides = array<i32>} : memref<1024xf32, #tpu.memory_space<vmem>>, vector<16xf32>,
    %swap3A_22 = arith.constant 48 : index
    %swap3A_23 = tpu.vector_load %arg11[%swap3A_22] {strides = array<i32>} : memref<1024xf32, #tpu.memory_space<vmem>>, vector<16xf32>,
    tpu.vector_store %arg11[%swap3A_22], %broadcast_in_dim3A_8 {strides = array<i32>} : memref<1024xf32, #tpu.memory_space<vmem>>, vector<16xf32>,
    %swap3A_24 = arith.constant 64 : index
    %swap3A_25 = tpu.vector_load %arg10[%swap3A_24] {strides = array<i32>} : memref<1024xf32, #tpu.memory_space<vmem>>, vector<16xf32>,
    tpu.vector_store %arg10[%swap3A_24], %broadcast_in_dim3A_8 {strides = array<i32>} : memref<1024xf32, #tpu.memory_space<vmem>>, vector<16xf32>,
    %swap3A_26 = arith.constant 64 : index
    %swap3A_27 = tpu.vector_load %arg11[%swap3A_26] {strides = array<i32>} : memref<1024xf32, #tpu.memory_space<vmem>>, vector<16xf32>,
    tpu.vector_store %arg11[%swap3A_26], %broadcast_in_dim3A_8 {strides = array<i32>} : memref<1024xf32, #tpu.memory_space<vmem>>, vector<16xf32>,
    %swap3A_28 = arith.constant 80 : index
    %swap3A_29 = tpu.vector_load %arg10[%swap3A_28] {strides = array<i32>} : memref<1024xf32, #tpu.memory_space<vmem>>, vector<16xf32>,
    tpu.vector_store %arg10[%swap3A_28], %broadcast_in_dim3A_8 {strides = array<i32>} : memref<1024xf32, #tpu.memory_space<vmem>>, vector<16xf32>,
    %swap3A_30 = arith.constant 80 : index
    %swap3A_31 = tpu.vector_load %arg11[%swap3A_30] {strides = array<i32>} : memref<1024xf32, #tpu.memory_space<vmem>>, vector<16xf32>,
    tpu.vector_store %arg11[%swap3A_30], %broadcast_in_dim3A_8 {strides = array<i32>} : memref<1024xf32, #tpu.memory_space<vmem>>, vector<16xf32>,
    %swap3A_32 = arith.constant 96 : index
    %swap3A_33 = tpu.vector_load %arg10[%swap3A_32] {strides = array<i32>} : memref<1024xf32, #tpu.memory_space<vmem>>, vector<16xf32>,
    tpu.vector_store %arg10[%swap3A_32], %broadcast_in_dim3A_8 {strides = array<i32>} : memref<1024xf32, #tpu.memory_space<vmem>>, vector<16xf32>,
    %swap3A_34 = arith.constant 96 : index
    %swap3A_35 = tpu.vector_load %arg11[%swap3A_34] {strides = array<i32>} : memref<1024xf32, #tpu.memory_space<vmem>>, vector<16xf32>,
    tpu.vector_store %arg11[%swap3A_34], %broadcast_in_dim3A_8 {strides = array<i32>} : memref<1024xf32, #tpu.memory_space<vmem>>, vector<16xf32>,
    %swap3A_36 = arith.constant 112 : index
    %swap3A_37 = tpu.vector_load %arg10[%swap3A_36] {strides = array<i32>} : memref<1024xf32, #tpu.memory_space<vmem>>, vector<16xf32>,
    tpu.vector_store %arg10[%swap3A_36], %broadcast_in_dim3A_8 {strides = array<i32>} : memref<1024xf32, #tpu.memory_space<vmem>>, vector<16xf32>,
    %swap3A_38 = arith.constant 112 : index
    %swap3A_39 = tpu.vector_load %arg11[%swap3A_38] {strides = array<i32>} : memref<1024xf32, #tpu.memory_space<vmem>>, vector<16xf32>,
    tpu.vector_store %arg11[%swap3A_38], %broadcast_in_dim3A_8 {strides = array<i32>} : memref<1024xf32, #tpu.memory_space<vmem>>, vector<16xf32>,
    %swap3A_40 = arith.constant 128 : index
    %swap3A_41 = tpu.vector_load %arg10[%swap3A_40] {strides = array<i32>} : memref<1024xf32, #tpu.memory_space<vmem>>, vector<16xf32>,
    tpu.vector_store %arg10[%swap3A_40], %broadcast_in_dim3A_8 {strides = array<i32>} : memref<1024xf32, #tpu.memory_space<vmem>>, vector<16xf32>,
    %swap3A_42 = arith.constant 128 : index
    %swap3A_43 = tpu.vector_load %arg11[%swap3A_42] {strides = array<i32>} : memref<1024xf32, #tpu.memory_space<vmem>>, vector<16xf32>,
    tpu.vector_store %arg11[%swap3A_42], %broadcast_in_dim3A_8 {strides = array<i32>} : memref<1024xf32, #tpu.memory_space<vmem>>, vector<16xf32>,
    %swap3A_44 = arith.constant 144 : index
    %swap3A_45 = tpu.vector_load %arg10[%swap3A_44] {strides = array<i32>} : memref<1024xf32, #tpu.memory_space<vmem>>, vector<16xf32>,
    tpu.vector_store %arg10[%swap3A_44], %broadcast_in_dim3A_8 {strides = array<i32>} : memref<1024xf32, #tpu.memory_space<vmem>>, vector<16xf32>,
    %swap3A_46 = arith.constant 144 : index
    %swap3A_47 = tpu.vector_load %arg11[%swap3A_46] {strides = array<i32>} : memref<1024xf32, #tpu.memory_space<vmem>>, vector<16xf32>,
    tpu.vector_store %arg11[%swap3A_46], %broadcast_in_dim3A_8 {strides = array<i32>} : memref<1024xf32, #tpu.memory_space<vmem>>, vector<16xf32>,
    %swap3A_48 = arith.constant 160 : index
    %swap3A_49 = tpu.vector_load %arg10[%swap3A_48] {strides = array<i32>} : memref<1024xf32, #tpu.memory_space<vmem>>, vector<16xf32>,
    tpu.vector_store %arg10[%swap3A_48], %broadcast_in_dim3A_8 {strides = array<i32>} : memref<1024xf32, #tpu.memory_space<vmem>>, vector<16xf32>,
    %swap3A_50 = arith.constant 160 : index
    %swap3A_51 = tpu.vector_load %arg11[%swap3A_50] {strides = array<i32>} : memref<1024xf32, #tpu.memory_space<vmem>>, vector<16xf32>,
    tpu.vector_store %arg11[%swap3A_50], %broadcast_in_dim3A_8 {strides = array<i32>} : memref<1024xf32, #tpu.memory_space<vmem>>, vector<16xf32>,
    %swap3A_52 = arith.constant 176 : index
    %swap3A_53 = tpu.vector_load %arg10[%swap3A_52] {strides = array<i32>} : memref<1024xf32, #tpu.memory_space<vmem>>, vector<16xf32>,
    tpu.vector_store %arg10[%swap3A_52], %broadcast_in_dim3A_8 {strides = array<i32>} : memref<1024xf32, #tpu.memory_space<vmem>>, vector<16xf32>,
    %swap3A_54 = arith.constant 176 : index
    %swap3A_55 = tpu.vector_load %arg11[%swap3A_54] {strides = array<i32>} : memref<1024xf32, #tpu.memory_space<vmem>>, vector<16xf32>,
    tpu.vector_store %arg11[%swap3A_54], %broadcast_in_dim3A_8 {strides = array<i32>} : memref<1024xf32, #tpu.memory_space<vmem>>, vector<16xf32>,
    %swap3A_56 = arith.constant 192 : index
    %swap3A_57 = tpu.vector_load %arg10[%swap3A_56] {strides = array<i32>} : memref<1024xf32, #tpu.memory_space<vmem>>, vector<16xf32>,
    tpu.vector_store %arg10[%swap3A_56], %broadcast_in_dim3A_8 {strides = array<i32>} : memref<1024xf32, #tpu.memory_space<vmem>>, vector<16xf32>,
    %swap3A_58 = arith.constant 192 : index
    %swap3A_59 = tpu.vector_load %arg11[%swap3A_58] {strides = array<i32>} : memref<1024xf32, #tpu.memory_space<vmem>>, vector<16xf32>,
    tpu.vector_store %arg11[%swap3A_58], %broadcast_in_dim3A_8 {strides = array<i32>} : memref<1024xf32, #tpu.memory_space<vmem>>, vector<16xf32>,
    %swap3A_60 = arith.constant 208 : index
    %swap3A_61 = tpu.vector_load %arg10[%swap3A_60] {strides = array<i32>} : memref<1024xf32, #tpu.memory_space<vmem>>, vector<16xf32>,
    tpu.vector_store %arg10[%swap3A_60], %broadcast_in_dim3A_8 {strides = array<i32>} : memref<1024xf32, #tpu.memory_space<vmem>>, vector<16xf32>,
    %swap3A_62 = arith.constant 208 : index
    %swap3A_63 = tpu.vector_load %arg11[%swap3A_62] {strides = array<i32>} : memref<1024xf32, #tpu.memory_space<vmem>>, vector<16xf32>,
    tpu.vector_store %arg11[%swap3A_62], %broadcast_in_dim3A_8 {strides = array<i32>} : memref<1024xf32, #tpu.memory_space<vmem>>, vector<16xf32>,
    %swap3A_64 = arith.constant 224 : index
    %swap3A_65 = tpu.vector_load %arg10[%swap3A_64] {strides = array<i32>} : memref<1024xf32, #tpu.memory_space<vmem>>, vector<16xf32>,
    tpu.vector_store %arg10[%swap3A_64], %broadcast_in_dim3A_8 {strides = array<i32>} : memref<1024xf32, #tpu.memory_space<vmem>>, vector<16xf32>,
    %swap3A_66 = arith.constant 224 : index
    %swap3A_67 = tpu.vector_load %arg11[%swap3A_66] {strides = array<i32>} : memref<1024xf32, #tpu.memory_space<vmem>>, vector<16xf32>,
    tpu.vector_store %arg11[%swap3A_66], %broadcast_in_dim3A_8 {strides = array<i32>} : memref<1024xf32, #tpu.memory_space<vmem>>, vector<16xf32>,
    %swap3A_68 = arith.constant 240 : index
    %swap3A_69 = tpu.vector_load %arg10[%swap3A_68] {strides = array<i32>} : memref<1024xf32, #tpu.memory_space<vmem>>, vector<16xf32>,
    tpu.vector_store %arg10[%swap3A_68], %broadcast_in_dim3A_8 {strides = array<i32>} : memref<1024xf32, #tpu.memory_space<vmem>>, vector<16xf32>,
    %swap3A_70 = arith.constant 240 : index
    %swap3A_71 = tpu.vector_load %arg11[%swap3A_70] {strides = array<i32>} : memref<1024xf32, #tpu.memory_space<vmem>>, vector<16xf32>,
    tpu.vector_store %arg11[%swap3A_70], %broadcast_in_dim3A_8 {strides = array<i32>} : memref<1024xf32, #tpu.memory_space<vmem>>, vector<16xf32>,
    %swap3A_72 = arith.constant 256 : index
    %swap3A_73 = tpu.vector_load %arg10[%swap3A_72] {strides = array<i32>} : memref<1024xf32, #tpu.memory_space<vmem>>, vector<16xf32>,
    tpu.vector_store %arg10[%swap3A_72], %broadcast_in_dim3A_8 {strides = array<i32>} : memref<1024xf32, #tpu.memory_space<vmem>>, vector<16xf32>,
    %swap3A_74 = arith.constant 256 : index
    %swap3A_75 = tpu.vector_load %arg11[%swap3A_74] {strides = array<i32>} : memref<1024xf32, #tpu.memory_space<vmem>>, vector<16xf32>,
    tpu.vector_store %arg11[%swap3A_74], %broadcast_in_dim3A_8 {strides = array<i32>} : memref<1024xf32, #tpu.memory_space<vmem>>, vector<16xf32>,
    %swap3A_76 = arith.constant 272 : index
    %swap3A_77 = tpu.vector_load %arg10[%swap3A_76] {strides = array<i32>} : memref<1024xf32, #tpu.memory_space<vmem>>, vector<16xf32>,
    tpu.vector_store %arg10[%swap3A_76], %broadcast_in_dim3A_8 {strides = array<i32>} : memref<1024xf32, #tpu.memory_space<vmem>>, vector<16xf32>,
    %swap3A_78 = arith.constant 272 : index
    %swap3A_79 = tpu.vector_load %arg11[%swap3A_78] {strides = array<i32>} : memref<1024xf32, #tpu.memory_space<vmem>>, vector<16xf32>,
    tpu.vector_store %arg11[%swap3A_78], %broadcast_in_dim3A_8 {strides = array<i32>} : memref<1024xf32, #tpu.memory_space<vmem>>, vector<16xf32>,
    %swap3A_80 = arith.constant 288 : index
    %swap3A_81 = tpu.vector_load %arg10[%swap3A_80] {strides = array<i32>} : memref<1024xf32, #tpu.memory_space<vmem>>, vector<16xf32>,
    tpu.vector_store %arg10[%swap3A_80], %broadcast_in_dim3A_8 {strides = array<i32>} : memref<1024xf32, #tpu.memory_space<vmem>>, vector<16xf32>,
    %swap3A_82 = arith.constant 288 : index
    %swap3A_83 = tpu.vector_load %arg11[%swap3A_82] {strides = array<i32>} : memref<1024xf32, #tpu.memory_space<vmem>>, vector<16xf32>,
    tpu.vector_store %arg11[%swap3A_82], %broadcast_in_dim3A_8 {strides = array<i32>} : memref<1024xf32, #tpu.memory_space<vmem>>, vector<16xf32>,
    %swap3A_84 = arith.constant 304 : index
    %swap3A_85 = tpu.vector_load %arg10[%swap3A_84] {strides = array<i32>} : memref<1024xf32, #tpu.memory_space<vmem>>, vector<16xf32>,
    tpu.vector_store %arg10[%swap3A_84], %broadcast_in_dim3A_8 {strides = array<i32>} : memref<1024xf32, #tpu.memory_space<vmem>>, vector<16xf32>,
    %swap3A_86 = arith.constant 304 : index
    %swap3A_87 = tpu.vector_load %arg11[%swap3A_86] {strides = array<i32>} : memref<1024xf32, #tpu.memory_space<vmem>>, vector<16xf32>,
    tpu.vector_store %arg11[%swap3A_86], %broadcast_in_dim3A_8 {strides = array<i32>} : memref<1024xf32, #tpu.memory_space<vmem>>, vector<16xf32>,
    %swap3A_88 = arith.constant 320 : index
    %swap3A_89 = tpu.vector_load %arg10[%swap3A_88] {strides = array<i32>} : memref<1024xf32, #tpu.memory_space<vmem>>, vector<16xf32>,
    tpu.vector_store %arg10[%swap3A_88], %broadcast_in_dim3A_8 {strides = array<i32>} : memref<1024xf32, #tpu.memory_space<vmem>>, vector<16xf32>,
    %swap3A_90 = arith.constant 320 : index
    %swap3A_91 = tpu.vector_load %arg11[%swap3A_90] {strides = array<i32>} : memref<1024xf32, #tpu.memory_space<vmem>>, vector<16xf32>,
    tpu.vector_store %arg11[%swap3A_90], %broadcast_in_dim3A_8 {strides = array<i32>} : memref<1024xf32, #tpu.memory_space<vmem>>, vector<16xf32>,
    %swap3A_92 = arith.constant 336 : index
    %swap3A_93 = tpu.vector_load %arg10[%swap3A_92] {strides = array<i32>} : memref<1024xf32, #tpu.memory_space<vmem>>, vector<16xf32>,
    tpu.vector_store %arg10[%swap3A_92], %broadcast_in_dim3A_8 {strides = array<i32>} : memref<1024xf32, #tpu.memory_space<vmem>>, vector<16xf32>,
    %swap3A_94 = arith.constant 336 : index
    %swap3A_95 = tpu.vector_load %arg11[%swap3A_94] {strides = array<i32>} : memref<1024xf32, #tpu.memory_space<vmem>>, vector<16xf32>,
    tpu.vector_store %arg11[%swap3A_94], %broadcast_in_dim3A_8 {strides = array<i32>} : memref<1024xf32, #tpu.memory_space<vmem>>, vector<16xf32>,
    %swap3A_96 = arith.constant 352 : index
    %swap3A_97 = tpu.vector_load %arg10[%swap3A_96] {strides = array<i32>} : memref<1024xf32, #tpu.memory_space<vmem>>, vector<16xf32>,
    tpu.vector_store %arg10[%swap3A_96], %broadcast_in_dim3A_8 {strides = array<i32>} : memref<1024xf32, #tpu.memory_space<vmem>>, vector<16xf32>,
    %swap3A_98 = arith.constant 352 : index
    %swap3A_99 = tpu.vector_load %arg11[%swap3A_98] {strides = array<i32>} : memref<1024xf32, #tpu.memory_space<vmem>>, vector<16xf32>,
    tpu.vector_store %arg11[%swap3A_98], %broadcast_in_dim3A_8 {strides = array<i32>} : memref<1024xf32, #tpu.memory_space<vmem>>, vector<16xf32>,
    %swap3A_100 = arith.constant 368 : index
    %swap3A_101 = tpu.vector_load %arg10[%swap3A_100] {strides = array<i32>} : memref<1024xf32, #tpu.memory_space<vmem>>, vector<16xf32>,
    tpu.vector_store %arg10[%swap3A_100], %broadcast_in_dim3A_8 {strides = array<i32>} : memref<1024xf32, #tpu.memory_space<vmem>>, vector<16xf32>,
    %swap3A_102 = arith.constant 368 : index
    %swap3A_103 = tpu.vector_load %arg11[%swap3A_102] {strides = array<i32>} : memref<1024xf32, #tpu.memory_space<vmem>>, vector<16xf32>,
    tpu.vector_store %arg11[%swap3A_102], %broadcast_in_dim3A_8 {strides = array<i32>} : memref<1024xf32, #tpu.memory_space<vmem>>, vector<16xf32>,
    %swap3A_104 = arith.constant 384 : index
    %swap3A_105 = tpu.vector_load %arg10[%swap3A_104] {strides = array<i32>} : memref<1024xf32, #tpu.memory_space<vmem>>, vector<16xf32>,
    tpu.vector_store %arg10[%swap3A_104], %broadcast_in_dim3A_8 {strides = array<i32>} : memref<1024xf32, #tpu.memory_space<vmem>>, vector<16xf32>,
    %swap3A_106 = arith.constant 384 : index
    %swap3A_107 = tpu.vector_load %arg11[%swap3A_106] {strides = array<i32>} : memref<1024xf32, #tpu.memory_space<vmem>>, vector<16xf32>,
    tpu.vector_store %arg11[%swap3A_106], %broadcast_in_dim3A_8 {strides = array<i32>} : memref<1024xf32, #tpu.memory_space<vmem>>, vector<16xf32>,
    %swap3A_108 = arith.constant 400 : index
    %swap3A_109 = tpu.vector_load %arg10[%swap3A_108] {strides = array<i32>} : memref<1024xf32, #tpu.memory_space<vmem>>, vector<16xf32>,
    tpu.vector_store %arg10[%swap3A_108], %broadcast_in_dim3A_8 {strides = array<i32>} : memref<1024xf32, #tpu.memory_space<vmem>>, vector<16xf32>,
    %swap3A_110 = arith.constant 400 : index
    %swap3A_111 = tpu.vector_load %arg11[%swap3A_110] {strides = array<i32>} : memref<1024xf32, #tpu.memory_space<vmem>>, vector<16xf32>,
    tpu.vector_store %arg11[%swap3A_110], %broadcast_in_dim3A_8 {strides = array<i32>} : memref<1024xf32, #tpu.memory_space<vmem>>, vector<16xf32>,
    %swap3A_112 = arith.constant 416 : index
    %swap3A_113 = tpu.vector_load %arg10[%swap3A_112] {strides = array<i32>} : memref<1024xf32, #tpu.memory_space<vmem>>, vector<16xf32>,
    tpu.vector_store %arg10[%swap3A_112], %broadcast_in_dim3A_8 {strides = array<i32>} : memref<1024xf32, #tpu.memory_space<vmem>>, vector<16xf32>,
    %swap3A_114 = arith.constant 416 : index
    %swap3A_115 = tpu.vector_load %arg11[%swap3A_114] {strides = array<i32>} : memref<1024xf32, #tpu.memory_space<vmem>>, vector<16xf32>,
    tpu.vector_store %arg11[%swap3A_114], %broadcast_in_dim3A_8 {strides = array<i32>} : memref<1024xf32, #tpu.memory_space<vmem>>, vector<16xf32>,
    %swap3A_116 = arith.constant 432 : index
    %swap3A_117 = tpu.vector_load %arg10[%swap3A_116] {strides = array<i32>} : memref<1024xf32, #tpu.memory_space<vmem>>, vector<16xf32>,
    tpu.vector_store %arg10[%swap3A_116], %broadcast_in_dim3A_8 {strides = array<i32>} : memref<1024xf32, #tpu.memory_space<vmem>>, vector<16xf32>,
    %swap3A_118 = arith.constant 432 : index
    %swap3A_119 = tpu.vector_load %arg11[%swap3A_118] {strides = array<i32>} : memref<1024xf32, #tpu.memory_space<vmem>>, vector<16xf32>,
    tpu.vector_store %arg11[%swap3A_118], %broadcast_in_dim3A_8 {strides = array<i32>} : memref<1024xf32, #tpu.memory_space<vmem>>, vector<16xf32>,
    %swap3A_120 = arith.constant 448 : index
    %swap3A_121 = tpu.vector_load %arg10[%swap3A_120] {strides = array<i32>} : memref<1024xf32, #tpu.memory_space<vmem>>, vector<16xf32>,
    tpu.vector_store %arg10[%swap3A_120], %broadcast_in_dim3A_8 {strides = array<i32>} : memref<1024xf32, #tpu.memory_space<vmem>>, vector<16xf32>,
    %swap3A_122 = arith.constant 448 : index
    %swap3A_123 = tpu.vector_load %arg11[%swap3A_122] {strides = array<i32>} : memref<1024xf32, #tpu.memory_space<vmem>>, vector<16xf32>,
    tpu.vector_store %arg11[%swap3A_122], %broadcast_in_dim3A_8 {strides = array<i32>} : memref<1024xf32, #tpu.memory_space<vmem>>, vector<16xf32>,
    %swap3A_124 = arith.constant 464 : index
    %swap3A_125 = tpu.vector_load %arg10[%swap3A_124] {strides = array<i32>} : memref<1024xf32, #tpu.memory_space<vmem>>, vector<16xf32>,
    tpu.vector_store %arg10[%swap3A_124], %broadcast_in_dim3A_8 {strides = array<i32>} : memref<1024xf32, #tpu.memory_space<vmem>>, vector<16xf32>,
    %swap3A_126 = arith.constant 464 : index
    %swap3A_127 = tpu.vector_load %arg11[%swap3A_126] {strides = array<i32>} : memref<1024xf32, #tpu.memory_space<vmem>>, vector<16xf32>,
    tpu.vector_store %arg11[%swap3A_126], %broadcast_in_dim3A_8 {strides = array<i32>} : memref<1024xf32, #tpu.memory_space<vmem>>, vector<16xf32>,
    %swap3A_128 = arith.constant 480 : index
    %swap3A_129 = tpu.vector_load %arg10[%swap3A_128] {strides = array<i32>} : memref<1024xf32, #tpu.memory_space<vmem>>, vector<16xf32>,
    tpu.vector_store %arg10[%swap3A_128], %broadcast_in_dim3A_8 {strides = array<i32>} : memref<1024xf32, #tpu.memory_space<vmem>>, vector<16xf32>,
    %swap3A_130 = arith.constant 480 : index
    %swap3A_131 = tpu.vector_load %arg11[%swap3A_130] {strides = array<i32>} : memref<1024xf32, #tpu.memory_space<vmem>>, vector<16xf32>,
    tpu.vector_store %arg11[%swap3A_130], %broadcast_in_dim3A_8 {strides = array<i32>} : memref<1024xf32, #tpu.memory_space<vmem>>, vector<16xf32>,
    %swap3A_132 = arith.constant 496 : index
    %swap3A_133 = tpu.vector_load %arg10[%swap3A_132] {strides = array<i32>} : memref<1024xf32, #tpu.memory_space<vmem>>, vector<16xf32>,
    tpu.vector_store %arg10[%swap3A_132], %broadcast_in_dim3A_8 {strides = array<i32>} : memref<1024xf32, #tpu.memory_space<vmem>>, vector<16xf32>,
    %swap3A_134 = arith.constant 496 : index
    %swap3A_135 = tpu.vector_load %arg11[%swap3A_134] {strides = array<i32>} : memref<1024xf32, #tpu.memory_space<vmem>>, vector<16xf32>,
    tpu.vector_store %arg11[%swap3A_134], %broadcast_in_dim3A_8 {strides = array<i32>} : memref<1024xf32, #tpu.memory_space<vmem>>, vector<16xf32>,
    %swap3A_136 = arith.constant 512 : index
    %swap3A_137 = tpu.vector_load %arg10[%swap3A_136] {strides = array<i32>} : memref<1024xf32, #tpu.memory_space<vmem>>, vector<16xf32>,
    tpu.vector_store %arg10[%swap3A_136], %broadcast_in_dim3A_8 {strides = array<i32>} : memref<1024xf32, #tpu.memory_space<vmem>>, vector<16xf32>,
    %swap3A_138 = arith.constant 512 : index
    %swap3A_139 = tpu.vector_load %arg11[%swap3A_138] {strides = array<i32>} : memref<1024xf32, #tpu.memory_space<vmem>>, vector<16xf32>,
    tpu.vector_store %arg11[%swap3A_138], %broadcast_in_dim3A_8 {strides = array<i32>} : memref<1024xf32, #tpu.memory_space<vmem>>, vector<16xf32>,
    %swap3A_140 = arith.constant 528 : index
    %swap3A_141 = tpu.vector_load %arg10[%swap3A_140] {strides = array<i32>} : memref<1024xf32, #tpu.memory_space<vmem>>, vector<16xf32>,
    tpu.vector_store %arg10[%swap3A_140], %broadcast_in_dim3A_8 {strides = array<i32>} : memref<1024xf32, #tpu.memory_space<vmem>>, vector<16xf32>,
    %swap3A_142 = arith.constant 528 : index
    %swap3A_143 = tpu.vector_load %arg11[%swap3A_142] {strides = array<i32>} : memref<1024xf32, #tpu.memory_space<vmem>>, vector<16xf32>,
    tpu.vector_store %arg11[%swap3A_142], %broadcast_in_dim3A_8 {strides = array<i32>} : memref<1024xf32, #tpu.memory_space<vmem>>, vector<16xf32>,
    %swap3A_144 = arith.constant 544 : index
    %swap3A_145 = tpu.vector_load %arg10[%swap3A_144] {strides = array<i32>} : memref<1024xf32, #tpu.memory_space<vmem>>, vector<16xf32>,
    tpu.vector_store %arg10[%swap3A_144], %broadcast_in_dim3A_8 {strides = array<i32>} : memref<1024xf32, #tpu.memory_space<vmem>>, vector<16xf32>,
    %swap3A_146 = arith.constant 544 : index
    %swap3A_147 = tpu.vector_load %arg11[%swap3A_146] {strides = array<i32>} : memref<1024xf32, #tpu.memory_space<vmem>>, vector<16xf32>,
    tpu.vector_store %arg11[%swap3A_146], %broadcast_in_dim3A_8 {strides = array<i32>} : memref<1024xf32, #tpu.memory_space<vmem>>, vector<16xf32>,
    %swap3A_148 = arith.constant 560 : index
    %swap3A_149 = tpu.vector_load %arg10[%swap3A_148] {strides = array<i32>} : memref<1024xf32, #tpu.memory_space<vmem>>, vector<16xf32>,
    tpu.vector_store %arg10[%swap3A_148], %broadcast_in_dim3A_8 {strides = array<i32>} : memref<1024xf32, #tpu.memory_space<vmem>>, vector<16xf32>,
    %swap3A_150 = arith.constant 560 : index
    %swap3A_151 = tpu.vector_load %arg11[%swap3A_150] {strides = array<i32>} : memref<1024xf32, #tpu.memory_space<vmem>>, vector<16xf32>,
    tpu.vector_store %arg11[%swap3A_150], %broadcast_in_dim3A_8 {strides = array<i32>} : memref<1024xf32, #tpu.memory_space<vmem>>, vector<16xf32>,
    %swap3A_152 = arith.constant 576 : index
    %swap3A_153 = tpu.vector_load %arg10[%swap3A_152] {strides = array<i32>} : memref<1024xf32, #tpu.memory_space<vmem>>, vector<16xf32>,
    tpu.vector_store %arg10[%swap3A_152], %broadcast_in_dim3A_8 {strides = array<i32>} : memref<1024xf32, #tpu.memory_space<vmem>>, vector<16xf32>,
    %swap3A_154 = arith.constant 576 : index
    %swap3A_155 = tpu.vector_load %arg11[%swap3A_154] {strides = array<i32>} : memref<1024xf32, #tpu.memory_space<vmem>>, vector<16xf32>,
    tpu.vector_store %arg11[%swap3A_154], %broadcast_in_dim3A_8 {strides = array<i32>} : memref<1024xf32, #tpu.memory_space<vmem>>, vector<16xf32>,
    %swap3A_156 = arith.constant 592 : index
    %swap3A_157 = tpu.vector_load %arg10[%swap3A_156] {strides = array<i32>} : memref<1024xf32, #tpu.memory_space<vmem>>, vector<16xf32>,
    tpu.vector_store %arg10[%swap3A_156], %broadcast_in_dim3A_8 {strides = array<i32>} : memref<1024xf32, #tpu.memory_space<vmem>>, vector<16xf32>,
    %swap3A_158 = arith.constant 592 : index
    %swap3A_159 = tpu.vector_load %arg11[%swap3A_158] {strides = array<i32>} : memref<1024xf32, #tpu.memory_space<vmem>>, vector<16xf32>,
    tpu.vector_store %arg11[%swap3A_158], %broadcast_in_dim3A_8 {strides = array<i32>} : memref<1024xf32, #tpu.memory_space<vmem>>, vector<16xf32>,
    %swap3A_160 = arith.constant 608 : index
    %swap3A_161 = tpu.vector_load %arg10[%swap3A_160] {strides = array<i32>} : memref<1024xf32, #tpu.memory_space<vmem>>, vector<16xf32>,
    tpu.vector_store %arg10[%swap3A_160], %broadcast_in_dim3A_8 {strides = array<i32>} : memref<1024xf32, #tpu.memory_space<vmem>>, vector<16xf32>,
    %swap3A_162 = arith.constant 608 : index
    %swap3A_163 = tpu.vector_load %arg11[%swap3A_162] {strides = array<i32>} : memref<1024xf32, #tpu.memory_space<vmem>>, vector<16xf32>,
    tpu.vector_store %arg11[%swap3A_162], %broadcast_in_dim3A_8 {strides = array<i32>} : memref<1024xf32, #tpu.memory_space<vmem>>, vector<16xf32>,
    %swap3A_164 = arith.constant 624 : index
    %swap3A_165 = tpu.vector_load %arg10[%swap3A_164] {strides = array<i32>} : memref<1024xf32, #tpu.memory_space<vmem>>, vector<16xf32>,
    tpu.vector_store %arg10[%swap3A_164], %broadcast_in_dim3A_8 {strides = array<i32>} : memref<1024xf32, #tpu.memory_space<vmem>>, vector<16xf32>,
    %swap3A_166 = arith.constant 624 : index
    %swap3A_167 = tpu.vector_load %arg11[%swap3A_166] {strides = array<i32>} : memref<1024xf32, #tpu.memory_space<vmem>>, vector<16xf32>,
    tpu.vector_store %arg11[%swap3A_166], %broadcast_in_dim3A_8 {strides = array<i32>} : memref<1024xf32, #tpu.memory_space<vmem>>, vector<16xf32>,
    %swap3A_168 = arith.constant 640 : index
    %swap3A_169 = tpu.vector_load %arg10[%swap3A_168] {strides = array<i32>} : memref<1024xf32, #tpu.memory_space<vmem>>, vector<16xf32>,
    tpu.vector_store %arg10[%swap3A_168], %broadcast_in_dim3A_8 {strides = array<i32>} : memref<1024xf32, #tpu.memory_space<vmem>>, vector<16xf32>,
    %swap3A_170 = arith.constant 640 : index
    %swap3A_171 = tpu.vector_load %arg11[%swap3A_170] {strides = array<i32>} : memref<1024xf32, #tpu.memory_space<vmem>>, vector<16xf32>,
    tpu.vector_store %arg11[%swap3A_170], %broadcast_in_dim3A_8 {strides = array<i32>} : memref<1024xf32, #tpu.memory_space<vmem>>, vector<16xf32>,
    %swap3A_172 = arith.constant 656 : index
    %swap3A_173 = tpu.vector_load %arg10[%swap3A_172] {strides = array<i32>} : memref<1024xf32, #tpu.memory_space<vmem>>, vector<16xf32>,
    tpu.vector_store %arg10[%swap3A_172], %broadcast_in_dim3A_8 {strides = array<i32>} : memref<1024xf32, #tpu.memory_space<vmem>>, vector<16xf32>,
    %swap3A_174 = arith.constant 656 : index
    %swap3A_175 = tpu.vector_load %arg11[%swap3A_174] {strides = array<i32>} : memref<1024xf32, #tpu.memory_space<vmem>>, vector<16xf32>,
    tpu.vector_store %arg11[%swap3A_174], %broadcast_in_dim3A_8 {strides = array<i32>} : memref<1024xf32, #tpu.memory_space<vmem>>, vector<16xf32>,
    %swap3A_176 = arith.constant 672 : index
    %swap3A_177 = tpu.vector_load %arg10[%swap3A_176] {strides = array<i32>} : memref<1024xf32, #tpu.memory_space<vmem>>, vector<16xf32>,
    tpu.vector_store %arg10[%swap3A_176], %broadcast_in_dim3A_8 {strides = array<i32>} : memref<1024xf32, #tpu.memory_space<vmem>>, vector<16xf32>,
    %swap3A_178 = arith.constant 672 : index
    %swap3A_179 = tpu.vector_load %arg11[%swap3A_178] {strides = array<i32>} : memref<1024xf32, #tpu.memory_space<vmem>>, vector<16xf32>,
    tpu.vector_store %arg11[%swap3A_178], %broadcast_in_dim3A_8 {strides = array<i32>} : memref<1024xf32, #tpu.memory_space<vmem>>, vector<16xf32>,
    %swap3A_180 = arith.constant 688 : index
    %swap3A_181 = tpu.vector_load %arg10[%swap3A_180] {strides = array<i32>} : memref<1024xf32, #tpu.memory_space<vmem>>, vector<16xf32>,
    tpu.vector_store %arg10[%swap3A_180], %broadcast_in_dim3A_8 {strides = array<i32>} : memref<1024xf32, #tpu.memory_space<vmem>>, vector<16xf32>,
    %swap3A_182 = arith.constant 688 : index
    %swap3A_183 = tpu.vector_load %arg11[%swap3A_182] {strides = array<i32>} : memref<1024xf32, #tpu.memory_space<vmem>>, vector<16xf32>,
    tpu.vector_store %arg11[%swap3A_182], %broadcast_in_dim3A_8 {strides = array<i32>} : memref<1024xf32, #tpu.memory_space<vmem>>, vector<16xf32>,
    %swap3A_184 = arith.constant 704 : index
    %swap3A_185 = tpu.vector_load %arg10[%swap3A_184] {strides = array<i32>} : memref<1024xf32, #tpu.memory_space<vmem>>, vector<16xf32>,
    tpu.vector_store %arg10[%swap3A_184], %broadcast_in_dim3A_8 {strides = array<i32>} : memref<1024xf32, #tpu.memory_space<vmem>>, vector<16xf32>,
    %swap3A_186 = arith.constant 704 : index
    %swap3A_187 = tpu.vector_load %arg11[%swap3A_186] {strides = array<i32>} : memref<1024xf32, #tpu.memory_space<vmem>>, vector<16xf32>,
    tpu.vector_store %arg11[%swap3A_186], %broadcast_in_dim3A_8 {strides = array<i32>} : memref<1024xf32, #tpu.memory_space<vmem>>, vector<16xf32>,
    %swap3A_188 = arith.constant 720 : index
    %swap3A_189 = tpu.vector_load %arg10[%swap3A_188] {strides = array<i32>} : memref<1024xf32, #tpu.memory_space<vmem>>, vector<16xf32>,
    tpu.vector_store %arg10[%swap3A_188], %broadcast_in_dim3A_8 {strides = array<i32>} : memref<1024xf32, #tpu.memory_space<vmem>>, vector<16xf32>,
    %swap3A_190 = arith.constant 720 : index
    %swap3A_191 = tpu.vector_load %arg11[%swap3A_190] {strides = array<i32>} : memref<1024xf32, #tpu.memory_space<vmem>>, vector<16xf32>,
    tpu.vector_store %arg11[%swap3A_190], %broadcast_in_dim3A_8 {strides = array<i32>} : memref<1024xf32, #tpu.memory_space<vmem>>, vector<16xf32>,
    %swap3A_192 = arith.constant 736 : index
    %swap3A_193 = tpu.vector_load %arg10[%swap3A_192] {strides = array<i32>} : memref<1024xf32, #tpu.memory_space<vmem>>, vector<16xf32>,
    tpu.vector_store %arg10[%swap3A_192], %broadcast_in_dim3A_8 {strides = array<i32>} : memref<1024xf32, #tpu.memory_space<vmem>>, vector<16xf32>,
    %swap3A_194 = arith.constant 736 : index
    %swap3A_195 = tpu.vector_load %arg11[%swap3A_194] {strides = array<i32>} : memref<1024xf32, #tpu.memory_space<vmem>>, vector<16xf32>,
    tpu.vector_store %arg11[%swap3A_194], %broadcast_in_dim3A_8 {strides = array<i32>} : memref<1024xf32, #tpu.memory_space<vmem>>, vector<16xf32>,
    %swap3A_196 = arith.constant 752 : index
    %swap3A_197 = tpu.vector_load %arg10[%swap3A_196] {strides = array<i32>} : memref<1024xf32, #tpu.memory_space<vmem>>, vector<16xf32>,
    tpu.vector_store %arg10[%swap3A_196], %broadcast_in_dim3A_8 {strides = array<i32>} : memref<1024xf32, #tpu.memory_space<vmem>>, vector<16xf32>,
    %swap3A_198 = arith.constant 752 : index
    %swap3A_199 = tpu.vector_load %arg11[%swap3A_198] {strides = array<i32>} : memref<1024xf32, #tpu.memory_space<vmem>>, vector<16xf32>,
    tpu.vector_store %arg11[%swap3A_198], %broadcast_in_dim3A_8 {strides = array<i32>} : memref<1024xf32, #tpu.memory_space<vmem>>, vector<16xf32>,
    %swap3A_200 = arith.constant 768 : index
    %swap3A_201 = tpu.vector_load %arg10[%swap3A_200] {strides = array<i32>} : memref<1024xf32, #tpu.memory_space<vmem>>, vector<16xf32>,
    tpu.vector_store %arg10[%swap3A_200], %broadcast_in_dim3A_8 {strides = array<i32>} : memref<1024xf32, #tpu.memory_space<vmem>>, vector<16xf32>,
    %swap3A_202 = arith.constant 768 : index
    %swap3A_203 = tpu.vector_load %arg11[%swap3A_202] {strides = array<i32>} : memref<1024xf32, #tpu.memory_space<vmem>>, vector<16xf32>,
    tpu.vector_store %arg11[%swap3A_202], %broadcast_in_dim3A_8 {strides = array<i32>} : memref<1024xf32, #tpu.memory_space<vmem>>, vector<16xf32>,
    %swap3A_204 = arith.constant 784 : index
    %swap3A_205 = tpu.vector_load %arg10[%swap3A_204] {strides = array<i32>} : memref<1024xf32, #tpu.memory_space<vmem>>, vector<16xf32>,
    tpu.vector_store %arg10[%swap3A_204], %broadcast_in_dim3A_8 {strides = array<i32>} : memref<1024xf32, #tpu.memory_space<vmem>>, vector<16xf32>,
    %swap3A_206 = arith.constant 784 : index
    %swap3A_207 = tpu.vector_load %arg11[%swap3A_206] {strides = array<i32>} : memref<1024xf32, #tpu.memory_space<vmem>>, vector<16xf32>,
    tpu.vector_store %arg11[%swap3A_206], %broadcast_in_dim3A_8 {strides = array<i32>} : memref<1024xf32, #tpu.memory_space<vmem>>, vector<16xf32>,
    %swap3A_208 = arith.constant 800 : index
    %swap3A_209 = tpu.vector_load %arg10[%swap3A_208] {strides = array<i32>} : memref<1024xf32, #tpu.memory_space<vmem>>, vector<16xf32>,
    tpu.vector_store %arg10[%swap3A_208], %broadcast_in_dim3A_8 {strides = array<i32>} : memref<1024xf32, #tpu.memory_space<vmem>>, vector<16xf32>,
    %swap3A_210 = arith.constant 800 : index
    %swap3A_211 = tpu.vector_load %arg11[%swap3A_210] {strides = array<i32>} : memref<1024xf32, #tpu.memory_space<vmem>>, vector<16xf32>,
    tpu.vector_store %arg11[%swap3A_210], %broadcast_in_dim3A_8 {strides = array<i32>} : memref<1024xf32, #tpu.memory_space<vmem>>, vector<16xf32>,
    %swap3A_212 = arith.constant 816 : index
    %swap3A_213 = tpu.vector_load %arg10[%swap3A_212] {strides = array<i32>} : memref<1024xf32, #tpu.memory_space<vmem>>, vector<16xf32>,
    tpu.vector_store %arg10[%swap3A_212], %broadcast_in_dim3A_8 {strides = array<i32>} : memref<1024xf32, #tpu.memory_space<vmem>>, vector<16xf32>,
    %swap3A_214 = arith.constant 816 : index
    %swap3A_215 = tpu.vector_load %arg11[%swap3A_214] {strides = array<i32>} : memref<1024xf32, #tpu.memory_space<vmem>>, vector<16xf32>,
    tpu.vector_store %arg11[%swap3A_214], %broadcast_in_dim3A_8 {strides = array<i32>} : memref<1024xf32, #tpu.memory_space<vmem>>, vector<16xf32>,
    %swap3A_216 = arith.constant 832 : index
    %swap3A_217 = tpu.vector_load %arg10[%swap3A_216] {strides = array<i32>} : memref<1024xf32, #tpu.memory_space<vmem>>, vector<16xf32>,
    tpu.vector_store %arg10[%swap3A_216], %broadcast_in_dim3A_8 {strides = array<i32>} : memref<1024xf32, #tpu.memory_space<vmem>>, vector<16xf32>,
    %swap3A_218 = arith.constant 832 : index
    %swap3A_219 = tpu.vector_load %arg11[%swap3A_218] {strides = array<i32>} : memref<1024xf32, #tpu.memory_space<vmem>>, vector<16xf32>,
    tpu.vector_store %arg11[%swap3A_218], %broadcast_in_dim3A_8 {strides = array<i32>} : memref<1024xf32, #tpu.memory_space<vmem>>, vector<16xf32>,
    %swap3A_220 = arith.constant 848 : index
    %swap3A_221 = tpu.vector_load %arg10[%swap3A_220] {strides = array<i32>} : memref<1024xf32, #tpu.memory_space<vmem>>, vector<16xf32>,
    tpu.vector_store %arg10[%swap3A_220], %broadcast_in_dim3A_8 {strides = array<i32>} : memref<1024xf32, #tpu.memory_space<vmem>>, vector<16xf32>,
    %swap3A_222 = arith.constant 848 : index
    %swap3A_223 = tpu.vector_load %arg11[%swap3A_222] {strides = array<i32>} : memref<1024xf32, #tpu.memory_space<vmem>>, vector<16xf32>,
    tpu.vector_store %arg11[%swap3A_222], %broadcast_in_dim3A_8 {strides = array<i32>} : memref<1024xf32, #tpu.memory_space<vmem>>, vector<16xf32>,
    %swap3A_224 = arith.constant 864 : index
    %swap3A_225 = tpu.vector_load %arg10[%swap3A_224] {strides = array<i32>} : memref<1024xf32, #tpu.memory_space<vmem>>, vector<16xf32>,
    tpu.vector_store %arg10[%swap3A_224], %broadcast_in_dim3A_8 {strides = array<i32>} : memref<1024xf32, #tpu.memory_space<vmem>>, vector<16xf32>,
    %swap3A_226 = arith.constant 864 : index
    %swap3A_227 = tpu.vector_load %arg11[%swap3A_226] {strides = array<i32>} : memref<1024xf32, #tpu.memory_space<vmem>>, vector<16xf32>,
    tpu.vector_store %arg11[%swap3A_226], %broadcast_in_dim3A_8 {strides = array<i32>} : memref<1024xf32, #tpu.memory_space<vmem>>, vector<16xf32>,
    %swap3A_228 = arith.constant 880 : index
    %swap3A_229 = tpu.vector_load %arg10[%swap3A_228] {strides = array<i32>} : memref<1024xf32, #tpu.memory_space<vmem>>, vector<16xf32>,
    tpu.vector_store %arg10[%swap3A_228], %broadcast_in_dim3A_8 {strides = array<i32>} : memref<1024xf32, #tpu.memory_space<vmem>>, vector<16xf32>,
    %swap3A_230 = arith.constant 880 : index
    %swap3A_231 = tpu.vector_load %arg11[%swap3A_230] {strides = array<i32>} : memref<1024xf32, #tpu.memory_space<vmem>>, vector<16xf32>,
    tpu.vector_store %arg11[%swap3A_230], %broadcast_in_dim3A_8 {strides = array<i32>} : memref<1024xf32, #tpu.memory_space<vmem>>, vector<16xf32>,
    %swap3A_232 = arith.constant 896 : index
    %swap3A_233 = tpu.vector_load %arg10[%swap3A_232] {strides = array<i32>} : memref<1024xf32, #tpu.memory_space<vmem>>, vector<16xf32>,
    tpu.vector_store %arg10[%swap3A_232], %broadcast_in_dim3A_8 {strides = array<i32>} : memref<1024xf32, #tpu.memory_space<vmem>>, vector<16xf32>,
    %swap3A_234 = arith.constant 896 : index
    %swap3A_235 = tpu.vector_load %arg11[%swap3A_234] {strides = array<i32>} : memref<1024xf32, #tpu.memory_space<vmem>>, vector<16xf32>,
    tpu.vector_store %arg11[%swap3A_234], %broadcast_in_dim3A_8 {strides = array<i32>} : memref<1024xf32, #tpu.memory_space<vmem>>, vector<16xf32>,
    %swap3A_236 = arith.constant 912 : index
    %swap3A_237 = tpu.vector_load %arg10[%swap3A_236] {strides = array<i32>} : memref<1024xf32, #tpu.memory_space<vmem>>, vector<16xf32>,
    tpu.vector_store %arg10[%swap3A_236], %broadcast_in_dim3A_8 {strides = array<i32>} : memref<1024xf32, #tpu.memory_space<vmem>>, vector<16xf32>,
    %swap3A_238 = arith.constant 912 : index
    %swap3A_239 = tpu.vector_load %arg11[%swap3A_238] {strides = array<i32>} : memref<1024xf32, #tpu.memory_space<vmem>>, vector<16xf32>,
    tpu.vector_store %arg11[%swap3A_238], %broadcast_in_dim3A_8 {strides = array<i32>} : memref<1024xf32, #tpu.memory_space<vmem>>, vector<16xf32>,
    %swap3A_240 = arith.constant 928 : index
    %swap3A_241 = tpu.vector_load %arg10[%swap3A_240] {strides = array<i32>} : memref<1024xf32, #tpu.memory_space<vmem>>, vector<16xf32>,
    tpu.vector_store %arg10[%swap3A_240], %broadcast_in_dim3A_8 {strides = array<i32>} : memref<1024xf32, #tpu.memory_space<vmem>>, vector<16xf32>,
    %swap3A_242 = arith.constant 928 : index
    %swap3A_243 = tpu.vector_load %arg11[%swap3A_242] {strides = array<i32>} : memref<1024xf32, #tpu.memory_space<vmem>>, vector<16xf32>,
    tpu.vector_store %arg11[%swap3A_242], %broadcast_in_dim3A_8 {strides = array<i32>} : memref<1024xf32, #tpu.memory_space<vmem>>, vector<16xf32>,
    %swap3A_244 = arith.constant 944 : index
    %swap3A_245 = tpu.vector_load %arg10[%swap3A_244] {strides = array<i32>} : memref<1024xf32, #tpu.memory_space<vmem>>, vector<16xf32>,
    tpu.vector_store %arg10[%swap3A_244], %broadcast_in_dim3A_8 {strides = array<i32>} : memref<1024xf32, #tpu.memory_space<vmem>>, vector<16xf32>,
    %swap3A_246 = arith.constant 944 : index
    %swap3A_247 = tpu.vector_load %arg11[%swap3A_246] {strides = array<i32>} : memref<1024xf32, #tpu.memory_space<vmem>>, vector<16xf32>,
    tpu.vector_store %arg11[%swap3A_246], %broadcast_in_dim3A_8 {strides = array<i32>} : memref<1024xf32, #tpu.memory_space<vmem>>, vector<16xf32>,
    %swap3A_248 = arith.constant 960 : index
    %swap3A_249 = tpu.vector_load %arg10[%swap3A_248] {strides = array<i32>} : memref<1024xf32, #tpu.memory_space<vmem>>, vector<16xf32>,
    tpu.vector_store %arg10[%swap3A_248], %broadcast_in_dim3A_8 {strides = array<i32>} : memref<1024xf32, #tpu.memory_space<vmem>>, vector<16xf32>,
    %swap3A_250 = arith.constant 960 : index
    %swap3A_251 = tpu.vector_load %arg11[%swap3A_250] {strides = array<i32>} : memref<1024xf32, #tpu.memory_space<vmem>>, vector<16xf32>,
    tpu.vector_store %arg11[%swap3A_250], %broadcast_in_dim3A_8 {strides = array<i32>} : memref<1024xf32, #tpu.memory_space<vmem>>, vector<16xf32>,
    %swap3A_252 = arith.constant 976 : index
    %swap3A_253 = tpu.vector_load %arg10[%swap3A_252] {strides = array<i32>} : memref<1024xf32, #tpu.memory_space<vmem>>, vector<16xf32>,
    tpu.vector_store %arg10[%swap3A_252], %broadcast_in_dim3A_8 {strides = array<i32>} : memref<1024xf32, #tpu.memory_space<vmem>>, vector<16xf32>,
    %swap3A_254 = arith.constant 976 : index
    %swap3A_255 = tpu.vector_load %arg11[%swap3A_254] {strides = array<i32>} : memref<1024xf32, #tpu.memory_space<vmem>>, vector<16xf32>,
    tpu.vector_store %arg11[%swap3A_254], %broadcast_in_dim3A_8 {strides = array<i32>} : memref<1024xf32, #tpu.memory_space<vmem>>, vector<16xf32>,
    %swap3A_256 = arith.constant 992 : index
    %swap3A_257 = tpu.vector_load %arg10[%swap3A_256] {strides = array<i32>} : memref<1024xf32, #tpu.memory_space<vmem>>, vector<16xf32>,
    tpu.vector_store %arg10[%swap3A_256], %broadcast_in_dim3A_8 {strides = array<i32>} : memref<1024xf32, #tpu.memory_space<vmem>>, vector<16xf32>,
    %swap3A_258 = arith.constant 992 : index
    %swap3A_259 = tpu.vector_load %arg11[%swap3A_258] {strides = array<i32>} : memref<1024xf32, #tpu.memory_space<vmem>>, vector<16xf32>,
    tpu.vector_store %arg11[%swap3A_258], %broadcast_in_dim3A_8 {strides = array<i32>} : memref<1024xf32, #tpu.memory_space<vmem>>, vector<16xf32>,
    %swap3A_260 = arith.constant 1008 : index
    %swap3A_261 = tpu.vector_load %arg10[%swap3A_260] {strides = array<i32>} : memref<1024xf32, #tpu.memory_space<vmem>>, vector<16xf32>,
    tpu.vector_store %arg10[%swap3A_260], %broadcast_in_dim3A_8 {strides = array<i32>} : memref<1024xf32, #tpu.memory_space<vmem>>, vector<16xf32>,
    %swap3A_262 = arith.constant 1008 : index
    %swap3A_263 = tpu.vector_load %arg11[%swap3A_262] {strides = array<i32>} : memref<1024xf32, #tpu.memory_space<vmem>>, vector<16xf32>,
    tpu.vector_store %arg11[%swap3A_262], %broadcast_in_dim3A_8 {strides = array<i32>} : memref<1024xf32, #tpu.memory_space<vmem>>, vector<16xf32>,
    %iota3A = tpu.iota {dimensions = array<i32: 0>} : vector<16xi32>
    %broadcast_in_dim3A_264 = arith.constant 1.000000e+00 : f32
    %broadcast_in_dim3A_265 = vector.broadcast %broadcast_in_dim3A_264 : f32 to vector<16xf32>
    %add3A_266 = arith.constant 10000 : i32
    %add3A_267 = arith.addi %mul3A_2, %add3A_266 : i32
    %dma_start3A_268 = tpu.memref_slice %arg2[%add3A_267] : memref<1600000xf32, #tpu.memory_space<hbm>> -> memref<10000xf32, #tpu.memory_space<hbm>>
    %dma_start3A_269 = tpu.memref_slice %arg2[%add3A_267] : memref<1600000xf32, #tpu.memory_space<hbm>> -> memref<10000xf32, #tpu.memory_space<hbm>>
    tpu.enqueue_dma source(%dma_start3A_269 : memref<10000xf32, #tpu.memory_space<hbm>>) target(%arg7 : memref<10000xf32, #tpu.memory_space<vmem>>) target_semaphore(%arg13 : memref<!tpu.dma_semaphore, #tpu.memory_space<semaphore_mem>>)
    %dma_start3A_270 = tpu.memref_slice %arg3[%add3A_267] : memref<1600000xi32, #tpu.memory_space<hbm>> -> memref<10000xi32, #tpu.memory_space<hbm>>
    %dma_start3A_271 = tpu.memref_slice %arg3[%add3A_267] : memref<1600000xi32, #tpu.memory_space<hbm>> -> memref<10000xi32, #tpu.memory_space<hbm>>
    tpu.enqueue_dma source(%dma_start3A_271 : memref<10000xi32, #tpu.memory_space<hbm>>) target(%arg9 : memref<10000xi32, #tpu.memory_space<vmem>>) target_semaphore(%arg15 : memref<!tpu.dma_semaphore, #tpu.memory_space<semaphore_mem>>)
    %dma_wait3A = tpu.memref_slice %arg2[%add3A_4] : memref<1600000xf32, #tpu.memory_space<hbm>> -> memref<10000xf32, #tpu.memory_space<hbm>>
    %dma_wait3A_272 = tpu.memref_slice %arg2[%add3A_4] : memref<1600000xf32, #tpu.memory_space<hbm>> -> memref<10000xf32, #tpu.memory_space<hbm>>
    tpu.wait_dma2 semaphore(%arg12 : memref<!tpu.dma_semaphore, #tpu.memory_space<semaphore_mem>>) src(%dma_wait3A_272 : memref<10000xf32, #tpu.memory_space<hbm>>) dst(%arg6 : memref<10000xf32, #tpu.memory_space<vmem>>)
    %dma_wait3A_273 = tpu.memref_slice %arg3[%add3A_4] : memref<1600000xi32, #tpu.memory_space<hbm>> -> memref<10000xi32, #tpu.memory_space<hbm>>
    %dma_wait3A_274 = tpu.memref_slice %arg3[%add3A_4] : memref<1600000xi32, #tpu.memory_space<hbm>> -> memref<10000xi32, #tpu.memory_space<hbm>>
    tpu.wait_dma2 semaphore(%arg14 : memref<!tpu.dma_semaphore, #tpu.memory_space<semaphore_mem>>) src(%dma_wait3A_274 : memref<10000xi32, #tpu.memory_space<hbm>>) dst(%arg8 : memref<10000xi32, #tpu.memory_space<vmem>>)
    %scan3A = arith.constant 0 : i32
    %scan3A_275 = arith.constant 0 : i32
    %scan3A_276 = arith.constant 125 : i32
    %scan3A_277 = arith.addi %scan3A_275, %scan3A_276 : i32
    %scan3A_278 = arith.constant 1 : i32
    scf.for %scan3A_338 = %scan3A_275 to %scan3A_277 step %scan3A_278  : i32 {
      %mul3A_339 = arith.constant 80 : i32
      %mul3A_340 = arith.muli %scan3A_338, %mul3A_339 : i32
      %add3A_341 = arith.constant 0 : i32
      %add3A_342 = arith.addi %mul3A_340, %add3A_341 : i32
      %get3A = arith.index_cast %add3A_342 : i32 to index
      %get3A_343 = tpu.vector_load %arg8[%get3A] {strides = array<i32>} : memref<10000xi32, #tpu.memory_space<vmem>>, vector<16xi32>,
      %get3A_344 = arith.index_cast %add3A_342 : i32 to index
      %get3A_345 = tpu.vector_load %arg6[%get3A_344] {strides = array<i32>} : memref<10000xf32, #tpu.memory_space<vmem>>, vector<16xf32>,
      %mul3A_346 = arith.constant 16 : i32
      %mul3A_347 = vector.broadcast %mul3A_346 : i32 to vector<16xi32>
      %mul3A_348 = arith.muli %get3A_343, %mul3A_347 : vector<16xi32>
      %add3A_349 = arith.addi %mul3A_348, %iota3A : vector<16xi32>
      tpu.vector_store_idx %arg10[%add3A_349], %get3A_345 {add = true} : memref<1024xf32, #tpu.memory_space<vmem>>[vector<16xi32>], vector<16xf32>,
      tpu.vector_store_idx %arg11[%add3A_349], %broadcast_in_dim3A_265 {add = true} : memref<1024xf32, #tpu.memory_space<vmem>>[vector<16xi32>], vector<16xf32>,
      %add3A_350 = arith.constant 16 : i32
      %add3A_351 = arith.addi %mul3A_340, %add3A_350 : i32
      %get3A_352 = arith.index_cast %add3A_351 : i32 to index
      %get3A_353 = tpu.vector_load %arg8[%get3A_352] {strides = array<i32>} : memref<10000xi32, #tpu.memory_space<vmem>>, vector<16xi32>,
      %get3A_354 = arith.index_cast %add3A_351 : i32 to index
      %get3A_355 = tpu.vector_load %arg6[%get3A_354] {strides = array<i32>} : memref<10000xf32, #tpu.memory_space<vmem>>, vector<16xf32>,
      %mul3A_356 = arith.constant 16 : i32
      %mul3A_357 = vector.broadcast %mul3A_356 : i32 to vector<16xi32>
      %mul3A_358 = arith.muli %get3A_353, %mul3A_357 : vector<16xi32>
      %add3A_359 = arith.addi %mul3A_358, %iota3A : vector<16xi32>
      tpu.vector_store_idx %arg10[%add3A_359], %get3A_355 {add = true} : memref<1024xf32, #tpu.memory_space<vmem>>[vector<16xi32>], vector<16xf32>,
      tpu.vector_store_idx %arg11[%add3A_359], %broadcast_in_dim3A_265 {add = true} : memref<1024xf32, #tpu.memory_space<vmem>>[vector<16xi32>], vector<16xf32>,
      %add3A_360 = arith.constant 32 : i32
      %add3A_361 = arith.addi %mul3A_340, %add3A_360 : i32
      %get3A_362 = arith.index_cast %add3A_361 : i32 to index
      %get3A_363 = tpu.vector_load %arg8[%get3A_362] {strides = array<i32>} : memref<10000xi32, #tpu.memory_space<vmem>>, vector<16xi32>,
      %get3A_364 = arith.index_cast %add3A_361 : i32 to index
      %get3A_365 = tpu.vector_load %arg6[%get3A_364] {strides = array<i32>} : memref<10000xf32, #tpu.memory_space<vmem>>, vector<16xf32>,
      %mul3A_366 = arith.constant 16 : i32
      %mul3A_367 = vector.broadcast %mul3A_366 : i32 to vector<16xi32>
      %mul3A_368 = arith.muli %get3A_363, %mul3A_367 : vector<16xi32>
      %add3A_369 = arith.addi %mul3A_368, %iota3A : vector<16xi32>
      tpu.vector_store_idx %arg10[%add3A_369], %get3A_365 {add = true} : memref<1024xf32, #tpu.memory_space<vmem>>[vector<16xi32>], vector<16xf32>,
      tpu.vector_store_idx %arg11[%add3A_369], %broadcast_in_dim3A_265 {add = true} : memref<1024xf32, #tpu.memory_space<vmem>>[vector<16xi32>], vector<16xf32>,
      %add3A_370 = arith.constant 48 : i32
      %add3A_371 = arith.addi %mul3A_340, %add3A_370 : i32
      %get3A_372 = arith.index_cast %add3A_371 : i32 to index
      %get3A_373 = tpu.vector_load %arg8[%get3A_372] {strides = array<i32>} : memref<10000xi32, #tpu.memory_space<vmem>>, vector<16xi32>,
      %get3A_374 = arith.index_cast %add3A_371 : i32 to index
      %get3A_375 = tpu.vector_load %arg6[%get3A_374] {strides = array<i32>} : memref<10000xf32, #tpu.memory_space<vmem>>, vector<16xf32>,
      %mul3A_376 = arith.constant 16 : i32
      %mul3A_377 = vector.broadcast %mul3A_376 : i32 to vector<16xi32>
      %mul3A_378 = arith.muli %get3A_373, %mul3A_377 : vector<16xi32>
      %add3A_379 = arith.addi %mul3A_378, %iota3A : vector<16xi32>
      tpu.vector_store_idx %arg10[%add3A_379], %get3A_375 {add = true} : memref<1024xf32, #tpu.memory_space<vmem>>[vector<16xi32>], vector<16xf32>,
      tpu.vector_store_idx %arg11[%add3A_379], %broadcast_in_dim3A_265 {add = true} : memref<1024xf32, #tpu.memory_space<vmem>>[vector<16xi32>], vector<16xf32>,
      %add3A_380 = arith.constant 64 : i32
      %add3A_381 = arith.addi %mul3A_340, %add3A_380 : i32
      %get3A_382 = arith.index_cast %add3A_381 : i32 to index
      %get3A_383 = tpu.vector_load %arg8[%get3A_382] {strides = array<i32>} : memref<10000xi32, #tpu.memory_space<vmem>>, vector<16xi32>,
      %get3A_384 = arith.index_cast %add3A_381 : i32 to index
      %get3A_385 = tpu.vector_load %arg6[%get3A_384] {strides = array<i32>} : memref<10000xf32, #tpu.memory_space<vmem>>, vector<16xf32>,
      %mul3A_386 = arith.constant 16 : i32
      %mul3A_387 = vector.broadcast %mul3A_386 : i32 to vector<16xi32>
      %mul3A_388 = arith.muli %get3A_383, %mul3A_387 : vector<16xi32>
      %add3A_389 = arith.addi %mul3A_388, %iota3A : vector<16xi32>
      tpu.vector_store_idx %arg10[%add3A_389], %get3A_385 {add = true} : memref<1024xf32, #tpu.memory_space<vmem>>[vector<16xi32>], vector<16xf32>,
      tpu.vector_store_idx %arg11[%add3A_389], %broadcast_in_dim3A_265 {add = true} : memref<1024xf32, #tpu.memory_space<vmem>>[vector<16xi32>], vector<16xf32>,
    }
    %scan3A_279 = arith.constant 125 : i32
    %add3A_280 = arith.constant 20000 : i32
    %add3A_281 = arith.addi %mul3A_2, %add3A_280 : i32
    %dma_start3A_282 = tpu.memref_slice %arg2[%add3A_281] : memref<1600000xf32, #tpu.memory_space<hbm>> -> memref<10000xf32, #tpu.memory_space<hbm>>
    %dma_start3A_283 = tpu.memref_slice %arg2[%add3A_281] : memref<1600000xf32, #tpu.memory_space<hbm>> -> memref<10000xf32, #tpu.memory_space<hbm>>
    tpu.enqueue_dma source(%dma_start3A_283 : memref<10000xf32, #tpu.memory_space<hbm>>) target(%arg6 : memref<10000xf32, #tpu.memory_space<vmem>>) target_semaphore(%arg12 : memref<!tpu.dma_semaphore, #tpu.memory_space<semaphore_mem>>)
    %dma_start3A_284 = tpu.memref_slice %arg3[%add3A_281] : memref<1600000xi32, #tpu.memory_space<hbm>> -> memref<10000xi32, #tpu.memory_space<hbm>>
    %dma_start3A_285 = tpu.memref_slice %arg3[%add3A_281] : memref<1600000xi32, #tpu.memory_space<hbm>> -> memref<10000xi32, #tpu.memory_space<hbm>>
    tpu.enqueue_dma source(%dma_start3A_285 : memref<10000xi32, #tpu.memory_space<hbm>>) target(%arg8 : memref<10000xi32, #tpu.memory_space<vmem>>) target_semaphore(%arg14 : memref<!tpu.dma_semaphore, #tpu.memory_space<semaphore_mem>>)
    %dma_wait3A_286 = tpu.memref_slice %arg2[%add3A_267] : memref<1600000xf32, #tpu.memory_space<hbm>> -> memref<10000xf32, #tpu.memory_space<hbm>>
    %dma_wait3A_287 = tpu.memref_slice %arg2[%add3A_267] : memref<1600000xf32, #tpu.memory_space<hbm>> -> memref<10000xf32, #tpu.memory_space<hbm>>
    tpu.wait_dma2 semaphore(%arg13 : memref<!tpu.dma_semaphore, #tpu.memory_space<semaphore_mem>>) src(%dma_wait3A_287 : memref<10000xf32, #tpu.memory_space<hbm>>) dst(%arg7 : memref<10000xf32, #tpu.memory_space<vmem>>)
    %dma_wait3A_288 = tpu.memref_slice %arg3[%add3A_267] : memref<1600000xi32, #tpu.memory_space<hbm>> -> memref<10000xi32, #tpu.memory_space<hbm>>
    %dma_wait3A_289 = tpu.memref_slice %arg3[%add3A_267] : memref<1600000xi32, #tpu.memory_space<hbm>> -> memref<10000xi32, #tpu.memory_space<hbm>>
    tpu.wait_dma2 semaphore(%arg15 : memref<!tpu.dma_semaphore, #tpu.memory_space<semaphore_mem>>) src(%dma_wait3A_289 : memref<10000xi32, #tpu.memory_space<hbm>>) dst(%arg9 : memref<10000xi32, #tpu.memory_space<vmem>>)
    %scan3A_290 = arith.constant 0 : i32
    %scan3A_291 = arith.constant 0 : i32
    %scan3A_292 = arith.constant 125 : i32
    %scan3A_293 = arith.addi %scan3A_291, %scan3A_292 : i32
    %scan3A_294 = arith.constant 1 : i32
    scf.for %scan3A_338 = %scan3A_291 to %scan3A_293 step %scan3A_294  : i32 {
      %mul3A_339 = arith.constant 80 : i32
      %mul3A_340 = arith.muli %scan3A_338, %mul3A_339 : i32
      %add3A_341 = arith.constant 0 : i32
      %add3A_342 = arith.addi %mul3A_340, %add3A_341 : i32
      %get3A = arith.index_cast %add3A_342 : i32 to index
      %get3A_343 = tpu.vector_load %arg9[%get3A] {strides = array<i32>} : memref<10000xi32, #tpu.memory_space<vmem>>, vector<16xi32>,
      %get3A_344 = arith.index_cast %add3A_342 : i32 to index
      %get3A_345 = tpu.vector_load %arg7[%get3A_344] {strides = array<i32>} : memref<10000xf32, #tpu.memory_space<vmem>>, vector<16xf32>,
      %mul3A_346 = arith.constant 16 : i32
      %mul3A_347 = vector.broadcast %mul3A_346 : i32 to vector<16xi32>
      %mul3A_348 = arith.muli %get3A_343, %mul3A_347 : vector<16xi32>
      %add3A_349 = arith.addi %mul3A_348, %iota3A : vector<16xi32>
      tpu.vector_store_idx %arg10[%add3A_349], %get3A_345 {add = true} : memref<1024xf32, #tpu.memory_space<vmem>>[vector<16xi32>], vector<16xf32>,
      tpu.vector_store_idx %arg11[%add3A_349], %broadcast_in_dim3A_265 {add = true} : memref<1024xf32, #tpu.memory_space<vmem>>[vector<16xi32>], vector<16xf32>,
      %add3A_350 = arith.constant 16 : i32
      %add3A_351 = arith.addi %mul3A_340, %add3A_350 : i32
      %get3A_352 = arith.index_cast %add3A_351 : i32 to index
      %get3A_353 = tpu.vector_load %arg9[%get3A_352] {strides = array<i32>} : memref<10000xi32, #tpu.memory_space<vmem>>, vector<16xi32>,
      %get3A_354 = arith.index_cast %add3A_351 : i32 to index
      %get3A_355 = tpu.vector_load %arg7[%get3A_354] {strides = array<i32>} : memref<10000xf32, #tpu.memory_space<vmem>>, vector<16xf32>,
      %mul3A_356 = arith.constant 16 : i32
      %mul3A_357 = vector.broadcast %mul3A_356 : i32 to vector<16xi32>
      %mul3A_358 = arith.muli %get3A_353, %mul3A_357 : vector<16xi32>
      %add3A_359 = arith.addi %mul3A_358, %iota3A : vector<16xi32>
      tpu.vector_store_idx %arg10[%add3A_359], %get3A_355 {add = true} : memref<1024xf32, #tpu.memory_space<vmem>>[vector<16xi32>], vector<16xf32>,
      tpu.vector_store_idx %arg11[%add3A_359], %broadcast_in_dim3A_265 {add = true} : memref<1024xf32, #tpu.memory_space<vmem>>[vector<16xi32>], vector<16xf32>,
      %add3A_360 = arith.constant 32 : i32
      %add3A_361 = arith.addi %mul3A_340, %add3A_360 : i32
      %get3A_362 = arith.index_cast %add3A_361 : i32 to index
      %get3A_363 = tpu.vector_load %arg9[%get3A_362] {strides = array<i32>} : memref<10000xi32, #tpu.memory_space<vmem>>, vector<16xi32>,
      %get3A_364 = arith.index_cast %add3A_361 : i32 to index
      %get3A_365 = tpu.vector_load %arg7[%get3A_364] {strides = array<i32>} : memref<10000xf32, #tpu.memory_space<vmem>>, vector<16xf32>,
      %mul3A_366 = arith.constant 16 : i32
      %mul3A_367 = vector.broadcast %mul3A_366 : i32 to vector<16xi32>
      %mul3A_368 = arith.muli %get3A_363, %mul3A_367 : vector<16xi32>
      %add3A_369 = arith.addi %mul3A_368, %iota3A : vector<16xi32>
      tpu.vector_store_idx %arg10[%add3A_369], %get3A_365 {add = true} : memref<1024xf32, #tpu.memory_space<vmem>>[vector<16xi32>], vector<16xf32>,
      tpu.vector_store_idx %arg11[%add3A_369], %broadcast_in_dim3A_265 {add = true} : memref<1024xf32, #tpu.memory_space<vmem>>[vector<16xi32>], vector<16xf32>,
      %add3A_370 = arith.constant 48 : i32
      %add3A_371 = arith.addi %mul3A_340, %add3A_370 : i32
      %get3A_372 = arith.index_cast %add3A_371 : i32 to index
      %get3A_373 = tpu.vector_load %arg9[%get3A_372] {strides = array<i32>} : memref<10000xi32, #tpu.memory_space<vmem>>, vector<16xi32>,
      %get3A_374 = arith.index_cast %add3A_371 : i32 to index
      %get3A_375 = tpu.vector_load %arg7[%get3A_374] {strides = array<i32>} : memref<10000xf32, #tpu.memory_space<vmem>>, vector<16xf32>,
      %mul3A_376 = arith.constant 16 : i32
      %mul3A_377 = vector.broadcast %mul3A_376 : i32 to vector<16xi32>
      %mul3A_378 = arith.muli %get3A_373, %mul3A_377 : vector<16xi32>
      %add3A_379 = arith.addi %mul3A_378, %iota3A : vector<16xi32>
      tpu.vector_store_idx %arg10[%add3A_379], %get3A_375 {add = true} : memref<1024xf32, #tpu.memory_space<vmem>>[vector<16xi32>], vector<16xf32>,
      tpu.vector_store_idx %arg11[%add3A_379], %broadcast_in_dim3A_265 {add = true} : memref<1024xf32, #tpu.memory_space<vmem>>[vector<16xi32>], vector<16xf32>,
      %add3A_380 = arith.constant 64 : i32
      %add3A_381 = arith.addi %mul3A_340, %add3A_380 : i32
      %get3A_382 = arith.index_cast %add3A_381 : i32 to index
      %get3A_383 = tpu.vector_load %arg9[%get3A_382] {strides = array<i32>} : memref<10000xi32, #tpu.memory_space<vmem>>, vector<16xi32>,
      %get3A_384 = arith.index_cast %add3A_381 : i32 to index
      %get3A_385 = tpu.vector_load %arg7[%get3A_384] {strides = array<i32>} : memref<10000xf32, #tpu.memory_space<vmem>>, vector<16xf32>,
      %mul3A_386 = arith.constant 16 : i32
      %mul3A_387 = vector.broadcast %mul3A_386 : i32 to vector<16xi32>
      %mul3A_388 = arith.muli %get3A_383, %mul3A_387 : vector<16xi32>
      %add3A_389 = arith.addi %mul3A_388, %iota3A : vector<16xi32>
      tpu.vector_store_idx %arg10[%add3A_389], %get3A_385 {add = true} : memref<1024xf32, #tpu.memory_space<vmem>>[vector<16xi32>], vector<16xf32>,
      tpu.vector_store_idx %arg11[%add3A_389], %broadcast_in_dim3A_265 {add = true} : memref<1024xf32, #tpu.memory_space<vmem>>[vector<16xi32>], vector<16xf32>,
    }
    %scan3A_295 = arith.constant 125 : i32
    %add3A_296 = arith.constant 30000 : i32
    %add3A_297 = arith.addi %mul3A_2, %add3A_296 : i32
    %dma_start3A_298 = tpu.memref_slice %arg2[%add3A_297] : memref<1600000xf32, #tpu.memory_space<hbm>> -> memref<10000xf32, #tpu.memory_space<hbm>>
    %dma_start3A_299 = tpu.memref_slice %arg2[%add3A_297] : memref<1600000xf32, #tpu.memory_space<hbm>> -> memref<10000xf32, #tpu.memory_space<hbm>>
    tpu.enqueue_dma source(%dma_start3A_299 : memref<10000xf32, #tpu.memory_space<hbm>>) target(%arg7 : memref<10000xf32, #tpu.memory_space<vmem>>) target_semaphore(%arg13 : memref<!tpu.dma_semaphore, #tpu.memory_space<semaphore_mem>>)
    %dma_start3A_300 = tpu.memref_slice %arg3[%add3A_297] : memref<1600000xi32, #tpu.memory_space<hbm>> -> memref<10000xi32, #tpu.memory_space<hbm>>
    %dma_start3A_301 = tpu.memref_slice %arg3[%add3A_297] : memref<1600000xi32, #tpu.memory_space<hbm>> -> memref<10000xi32, #tpu.memory_space<hbm>>
    tpu.enqueue_dma source(%dma_start3A_301 : memref<10000xi32, #tpu.memory_space<hbm>>) target(%arg9 : memref<10000xi32, #tpu.memory_space<vmem>>) target_semaphore(%arg15 : memref<!tpu.dma_semaphore, #tpu.memory_space<semaphore_mem>>)
    %dma_wait3A_302 = tpu.memref_slice %arg2[%add3A_281] : memref<1600000xf32, #tpu.memory_space<hbm>> -> memref<10000xf32, #tpu.memory_space<hbm>>
    %dma_wait3A_303 = tpu.memref_slice %arg2[%add3A_281] : memref<1600000xf32, #tpu.memory_space<hbm>> -> memref<10000xf32, #tpu.memory_space<hbm>>
    tpu.wait_dma2 semaphore(%arg12 : memref<!tpu.dma_semaphore, #tpu.memory_space<semaphore_mem>>) src(%dma_wait3A_303 : memref<10000xf32, #tpu.memory_space<hbm>>) dst(%arg6 : memref<10000xf32, #tpu.memory_space<vmem>>)
    %dma_wait3A_304 = tpu.memref_slice %arg3[%add3A_281] : memref<1600000xi32, #tpu.memory_space<hbm>> -> memref<10000xi32, #tpu.memory_space<hbm>>
    %dma_wait3A_305 = tpu.memref_slice %arg3[%add3A_281] : memref<1600000xi32, #tpu.memory_space<hbm>> -> memref<10000xi32, #tpu.memory_space<hbm>>
    tpu.wait_dma2 semaphore(%arg14 : memref<!tpu.dma_semaphore, #tpu.memory_space<semaphore_mem>>) src(%dma_wait3A_305 : memref<10000xi32, #tpu.memory_space<hbm>>) dst(%arg8 : memref<10000xi32, #tpu.memory_space<vmem>>)
    %scan3A_306 = arith.constant 0 : i32
    %scan3A_307 = arith.constant 0 : i32
    %scan3A_308 = arith.constant 125 : i32
    %scan3A_309 = arith.addi %scan3A_307, %scan3A_308 : i32
    %scan3A_310 = arith.constant 1 : i32
    scf.for %scan3A_338 = %scan3A_307 to %scan3A_309 step %scan3A_310  : i32 {
      %mul3A_339 = arith.constant 80 : i32
      %mul3A_340 = arith.muli %scan3A_338, %mul3A_339 : i32
      %add3A_341 = arith.constant 0 : i32
      %add3A_342 = arith.addi %mul3A_340, %add3A_341 : i32
      %get3A = arith.index_cast %add3A_342 : i32 to index
      %get3A_343 = tpu.vector_load %arg8[%get3A] {strides = array<i32>} : memref<10000xi32, #tpu.memory_space<vmem>>, vector<16xi32>,
      %get3A_344 = arith.index_cast %add3A_342 : i32 to index
      %get3A_345 = tpu.vector_load %arg6[%get3A_344] {strides = array<i32>} : memref<10000xf32, #tpu.memory_space<vmem>>, vector<16xf32>,
      %mul3A_346 = arith.constant 16 : i32
      %mul3A_347 = vector.broadcast %mul3A_346 : i32 to vector<16xi32>
      %mul3A_348 = arith.muli %get3A_343, %mul3A_347 : vector<16xi32>
      %add3A_349 = arith.addi %mul3A_348, %iota3A : vector<16xi32>
      tpu.vector_store_idx %arg10[%add3A_349], %get3A_345 {add = true} : memref<1024xf32, #tpu.memory_space<vmem>>[vector<16xi32>], vector<16xf32>,
      tpu.vector_store_idx %arg11[%add3A_349], %broadcast_in_dim3A_265 {add = true} : memref<1024xf32, #tpu.memory_space<vmem>>[vector<16xi32>], vector<16xf32>,
      %add3A_350 = arith.constant 16 : i32
      %add3A_351 = arith.addi %mul3A_340, %add3A_350 : i32
      %get3A_352 = arith.index_cast %add3A_351 : i32 to index
      %get3A_353 = tpu.vector_load %arg8[%get3A_352] {strides = array<i32>} : memref<10000xi32, #tpu.memory_space<vmem>>, vector<16xi32>,
      %get3A_354 = arith.index_cast %add3A_351 : i32 to index
      %get3A_355 = tpu.vector_load %arg6[%get3A_354] {strides = array<i32>} : memref<10000xf32, #tpu.memory_space<vmem>>, vector<16xf32>,
      %mul3A_356 = arith.constant 16 : i32
      %mul3A_357 = vector.broadcast %mul3A_356 : i32 to vector<16xi32>
      %mul3A_358 = arith.muli %get3A_353, %mul3A_357 : vector<16xi32>
      %add3A_359 = arith.addi %mul3A_358, %iota3A : vector<16xi32>
      tpu.vector_store_idx %arg10[%add3A_359], %get3A_355 {add = true} : memref<1024xf32, #tpu.memory_space<vmem>>[vector<16xi32>], vector<16xf32>,
      tpu.vector_store_idx %arg11[%add3A_359], %broadcast_in_dim3A_265 {add = true} : memref<1024xf32, #tpu.memory_space<vmem>>[vector<16xi32>], vector<16xf32>,
      %add3A_360 = arith.constant 32 : i32
      %add3A_361 = arith.addi %mul3A_340, %add3A_360 : i32
      %get3A_362 = arith.index_cast %add3A_361 : i32 to index
      %get3A_363 = tpu.vector_load %arg8[%get3A_362] {strides = array<i32>} : memref<10000xi32, #tpu.memory_space<vmem>>, vector<16xi32>,
      %get3A_364 = arith.index_cast %add3A_361 : i32 to index
      %get3A_365 = tpu.vector_load %arg6[%get3A_364] {strides = array<i32>} : memref<10000xf32, #tpu.memory_space<vmem>>, vector<16xf32>,
      %mul3A_366 = arith.constant 16 : i32
      %mul3A_367 = vector.broadcast %mul3A_366 : i32 to vector<16xi32>
      %mul3A_368 = arith.muli %get3A_363, %mul3A_367 : vector<16xi32>
      %add3A_369 = arith.addi %mul3A_368, %iota3A : vector<16xi32>
      tpu.vector_store_idx %arg10[%add3A_369], %get3A_365 {add = true} : memref<1024xf32, #tpu.memory_space<vmem>>[vector<16xi32>], vector<16xf32>,
      tpu.vector_store_idx %arg11[%add3A_369], %broadcast_in_dim3A_265 {add = true} : memref<1024xf32, #tpu.memory_space<vmem>>[vector<16xi32>], vector<16xf32>,
      %add3A_370 = arith.constant 48 : i32
      %add3A_371 = arith.addi %mul3A_340, %add3A_370 : i32
      %get3A_372 = arith.index_cast %add3A_371 : i32 to index
      %get3A_373 = tpu.vector_load %arg8[%get3A_372] {strides = array<i32>} : memref<10000xi32, #tpu.memory_space<vmem>>, vector<16xi32>,
      %get3A_374 = arith.index_cast %add3A_371 : i32 to index
      %get3A_375 = tpu.vector_load %arg6[%get3A_374] {strides = array<i32>} : memref<10000xf32, #tpu.memory_space<vmem>>, vector<16xf32>,
      %mul3A_376 = arith.constant 16 : i32
      %mul3A_377 = vector.broadcast %mul3A_376 : i32 to vector<16xi32>
      %mul3A_378 = arith.muli %get3A_373, %mul3A_377 : vector<16xi32>
      %add3A_379 = arith.addi %mul3A_378, %iota3A : vector<16xi32>
      tpu.vector_store_idx %arg10[%add3A_379], %get3A_375 {add = true} : memref<1024xf32, #tpu.memory_space<vmem>>[vector<16xi32>], vector<16xf32>,
      tpu.vector_store_idx %arg11[%add3A_379], %broadcast_in_dim3A_265 {add = true} : memref<1024xf32, #tpu.memory_space<vmem>>[vector<16xi32>], vector<16xf32>,
      %add3A_380 = arith.constant 64 : i32
      %add3A_381 = arith.addi %mul3A_340, %add3A_380 : i32
      %get3A_382 = arith.index_cast %add3A_381 : i32 to index
      %get3A_383 = tpu.vector_load %arg8[%get3A_382] {strides = array<i32>} : memref<10000xi32, #tpu.memory_space<vmem>>, vector<16xi32>,
      %get3A_384 = arith.index_cast %add3A_381 : i32 to index
      %get3A_385 = tpu.vector_load %arg6[%get3A_384] {strides = array<i32>} : memref<10000xf32, #tpu.memory_space<vmem>>, vector<16xf32>,
      %mul3A_386 = arith.constant 16 : i32
      %mul3A_387 = vector.broadcast %mul3A_386 : i32 to vector<16xi32>
      %mul3A_388 = arith.muli %get3A_383, %mul3A_387 : vector<16xi32>
      %add3A_389 = arith.addi %mul3A_388, %iota3A : vector<16xi32>
      tpu.vector_store_idx %arg10[%add3A_389], %get3A_385 {add = true} : memref<1024xf32, #tpu.memory_space<vmem>>[vector<16xi32>], vector<16xf32>,
      tpu.vector_store_idx %arg11[%add3A_389], %broadcast_in_dim3A_265 {add = true} : memref<1024xf32, #tpu.memory_space<vmem>>[vector<16xi32>], vector<16xf32>,
    }
    %scan3A_311 = arith.constant 125 : i32
    %add3A_312 = arith.constant 40000 : i32
    %add3A_313 = arith.addi %mul3A_2, %add3A_312 : i32
    %dma_start3A_314 = tpu.memref_slice %arg2[%add3A_313] : memref<1600000xf32, #tpu.memory_space<hbm>> -> memref<10000xf32, #tpu.memory_space<hbm>>
    %dma_start3A_315 = tpu.memref_slice %arg2[%add3A_313] : memref<1600000xf32, #tpu.memory_space<hbm>> -> memref<10000xf32, #tpu.memory_space<hbm>>
    tpu.enqueue_dma source(%dma_start3A_315 : memref<10000xf32, #tpu.memory_space<hbm>>) target(%arg6 : memref<10000xf32, #tpu.memory_space<vmem>>) target_semaphore(%arg12 : memref<!tpu.dma_semaphore, #tpu.memory_space<semaphore_mem>>)
    %dma_start3A_316 = tpu.memref_slice %arg3[%add3A_313] : memref<1600000xi32, #tpu.memory_space<hbm>> -> memref<10000xi32, #tpu.memory_space<hbm>>
    %dma_start3A_317 = tpu.memref_slice %arg3[%add3A_313] : memref<1600000xi32, #tpu.memory_space<hbm>> -> memref<10000xi32, #tpu.memory_space<hbm>>
    tpu.enqueue_dma source(%dma_start3A_317 : memref<10000xi32, #tpu.memory_space<hbm>>) target(%arg8 : memref<10000xi32, #tpu.memory_space<vmem>>) target_semaphore(%arg14 : memref<!tpu.dma_semaphore, #tpu.memory_space<semaphore_mem>>)
    %dma_wait3A_318 = tpu.memref_slice %arg2[%add3A_297] : memref<1600000xf32, #tpu.memory_space<hbm>> -> memref<10000xf32, #tpu.memory_space<hbm>>
    %dma_wait3A_319 = tpu.memref_slice %arg2[%add3A_297] : memref<1600000xf32, #tpu.memory_space<hbm>> -> memref<10000xf32, #tpu.memory_space<hbm>>
    tpu.wait_dma2 semaphore(%arg13 : memref<!tpu.dma_semaphore, #tpu.memory_space<semaphore_mem>>) src(%dma_wait3A_319 : memref<10000xf32, #tpu.memory_space<hbm>>) dst(%arg7 : memref<10000xf32, #tpu.memory_space<vmem>>)
    %dma_wait3A_320 = tpu.memref_slice %arg3[%add3A_297] : memref<1600000xi32, #tpu.memory_space<hbm>> -> memref<10000xi32, #tpu.memory_space<hbm>>
    %dma_wait3A_321 = tpu.memref_slice %arg3[%add3A_297] : memref<1600000xi32, #tpu.memory_space<hbm>> -> memref<10000xi32, #tpu.memory_space<hbm>>
    tpu.wait_dma2 semaphore(%arg15 : memref<!tpu.dma_semaphore, #tpu.memory_space<semaphore_mem>>) src(%dma_wait3A_321 : memref<10000xi32, #tpu.memory_space<hbm>>) dst(%arg9 : memref<10000xi32, #tpu.memory_space<vmem>>)
    %scan3A_322 = arith.constant 0 : i32
    %scan3A_323 = arith.constant 0 : i32
    %scan3A_324 = arith.constant 125 : i32
    %scan3A_325 = arith.addi %scan3A_323, %scan3A_324 : i32
    %scan3A_326 = arith.constant 1 : i32
    scf.for %scan3A_338 = %scan3A_323 to %scan3A_325 step %scan3A_326  : i32 {
      %mul3A_339 = arith.constant 80 : i32
      %mul3A_340 = arith.muli %scan3A_338, %mul3A_339 : i32
      %add3A_341 = arith.constant 0 : i32
      %add3A_342 = arith.addi %mul3A_340, %add3A_341 : i32
      %get3A = arith.index_cast %add3A_342 : i32 to index
      %get3A_343 = tpu.vector_load %arg9[%get3A] {strides = array<i32>} : memref<10000xi32, #tpu.memory_space<vmem>>, vector<16xi32>,
      %get3A_344 = arith.index_cast %add3A_342 : i32 to index
      %get3A_345 = tpu.vector_load %arg7[%get3A_344] {strides = array<i32>} : memref<10000xf32, #tpu.memory_space<vmem>>, vector<16xf32>,
      %mul3A_346 = arith.constant 16 : i32
      %mul3A_347 = vector.broadcast %mul3A_346 : i32 to vector<16xi32>
      %mul3A_348 = arith.muli %get3A_343, %mul3A_347 : vector<16xi32>
      %add3A_349 = arith.addi %mul3A_348, %iota3A : vector<16xi32>
      tpu.vector_store_idx %arg10[%add3A_349], %get3A_345 {add = true} : memref<1024xf32, #tpu.memory_space<vmem>>[vector<16xi32>], vector<16xf32>,
      tpu.vector_store_idx %arg11[%add3A_349], %broadcast_in_dim3A_265 {add = true} : memref<1024xf32, #tpu.memory_space<vmem>>[vector<16xi32>], vector<16xf32>,
      %add3A_350 = arith.constant 16 : i32
      %add3A_351 = arith.addi %mul3A_340, %add3A_350 : i32
      %get3A_352 = arith.index_cast %add3A_351 : i32 to index
      %get3A_353 = tpu.vector_load %arg9[%get3A_352] {strides = array<i32>} : memref<10000xi32, #tpu.memory_space<vmem>>, vector<16xi32>,
      %get3A_354 = arith.index_cast %add3A_351 : i32 to index
      %get3A_355 = tpu.vector_load %arg7[%get3A_354] {strides = array<i32>} : memref<10000xf32, #tpu.memory_space<vmem>>, vector<16xf32>,
      %mul3A_356 = arith.constant 16 : i32
      %mul3A_357 = vector.broadcast %mul3A_356 : i32 to vector<16xi32>
      %mul3A_358 = arith.muli %get3A_353, %mul3A_357 : vector<16xi32>
      %add3A_359 = arith.addi %mul3A_358, %iota3A : vector<16xi32>
      tpu.vector_store_idx %arg10[%add3A_359], %get3A_355 {add = true} : memref<1024xf32, #tpu.memory_space<vmem>>[vector<16xi32>], vector<16xf32>,
      tpu.vector_store_idx %arg11[%add3A_359], %broadcast_in_dim3A_265 {add = true} : memref<1024xf32, #tpu.memory_space<vmem>>[vector<16xi32>], vector<16xf32>,
      %add3A_360 = arith.constant 32 : i32
      %add3A_361 = arith.addi %mul3A_340, %add3A_360 : i32
      %get3A_362 = arith.index_cast %add3A_361 : i32 to index
      %get3A_363 = tpu.vector_load %arg9[%get3A_362] {strides = array<i32>} : memref<10000xi32, #tpu.memory_space<vmem>>, vector<16xi32>,
      %get3A_364 = arith.index_cast %add3A_361 : i32 to index
      %get3A_365 = tpu.vector_load %arg7[%get3A_364] {strides = array<i32>} : memref<10000xf32, #tpu.memory_space<vmem>>, vector<16xf32>,
      %mul3A_366 = arith.constant 16 : i32
      %mul3A_367 = vector.broadcast %mul3A_366 : i32 to vector<16xi32>
      %mul3A_368 = arith.muli %get3A_363, %mul3A_367 : vector<16xi32>
      %add3A_369 = arith.addi %mul3A_368, %iota3A : vector<16xi32>
      tpu.vector_store_idx %arg10[%add3A_369], %get3A_365 {add = true} : memref<1024xf32, #tpu.memory_space<vmem>>[vector<16xi32>], vector<16xf32>,
      tpu.vector_store_idx %arg11[%add3A_369], %broadcast_in_dim3A_265 {add = true} : memref<1024xf32, #tpu.memory_space<vmem>>[vector<16xi32>], vector<16xf32>,
      %add3A_370 = arith.constant 48 : i32
      %add3A_371 = arith.addi %mul3A_340, %add3A_370 : i32
      %get3A_372 = arith.index_cast %add3A_371 : i32 to index
      %get3A_373 = tpu.vector_load %arg9[%get3A_372] {strides = array<i32>} : memref<10000xi32, #tpu.memory_space<vmem>>, vector<16xi32>,
      %get3A_374 = arith.index_cast %add3A_371 : i32 to index
      %get3A_375 = tpu.vector_load %arg7[%get3A_374] {strides = array<i32>} : memref<10000xf32, #tpu.memory_space<vmem>>, vector<16xf32>,
      %mul3A_376 = arith.constant 16 : i32
      %mul3A_377 = vector.broadcast %mul3A_376 : i32 to vector<16xi32>
      %mul3A_378 = arith.muli %get3A_373, %mul3A_377 : vector<16xi32>
      %add3A_379 = arith.addi %mul3A_378, %iota3A : vector<16xi32>
      tpu.vector_store_idx %arg10[%add3A_379], %get3A_375 {add = true} : memref<1024xf32, #tpu.memory_space<vmem>>[vector<16xi32>], vector<16xf32>,
      tpu.vector_store_idx %arg11[%add3A_379], %broadcast_in_dim3A_265 {add = true} : memref<1024xf32, #tpu.memory_space<vmem>>[vector<16xi32>], vector<16xf32>,
      %add3A_380 = arith.constant 64 : i32
      %add3A_381 = arith.addi %mul3A_340, %add3A_380 : i32
      %get3A_382 = arith.index_cast %add3A_381 : i32 to index
      %get3A_383 = tpu.vector_load %arg9[%get3A_382] {strides = array<i32>} : memref<10000xi32, #tpu.memory_space<vmem>>, vector<16xi32>,
      %get3A_384 = arith.index_cast %add3A_381 : i32 to index
      %get3A_385 = tpu.vector_load %arg7[%get3A_384] {strides = array<i32>} : memref<10000xf32, #tpu.memory_space<vmem>>, vector<16xf32>,
      %mul3A_386 = arith.constant 16 : i32
      %mul3A_387 = vector.broadcast %mul3A_386 : i32 to vector<16xi32>
      %mul3A_388 = arith.muli %get3A_383, %mul3A_387 : vector<16xi32>
      %add3A_389 = arith.addi %mul3A_388, %iota3A : vector<16xi32>
      tpu.vector_store_idx %arg10[%add3A_389], %get3A_385 {add = true} : memref<1024xf32, #tpu.memory_space<vmem>>[vector<16xi32>], vector<16xf32>,
      tpu.vector_store_idx %arg11[%add3A_389], %broadcast_in_dim3A_265 {add = true} : memref<1024xf32, #tpu.memory_space<vmem>>[vector<16xi32>], vector<16xf32>,
    }
    %scan3A_327 = arith.constant 125 : i32
    %dma_wait3A_328 = tpu.memref_slice %arg2[%add3A_313] : memref<1600000xf32, #tpu.memory_space<hbm>> -> memref<10000xf32, #tpu.memory_space<hbm>>
    %dma_wait3A_329 = tpu.memref_slice %arg2[%add3A_313] : memref<1600000xf32, #tpu.memory_space<hbm>> -> memref<10000xf32, #tpu.memory_space<hbm>>
    tpu.wait_dma2 semaphore(%arg12 : memref<!tpu.dma_semaphore, #tpu.memory_space<semaphore_mem>>) src(%dma_wait3A_329 : memref<10000xf32, #tpu.memory_space<hbm>>) dst(%arg6 : memref<10000xf32, #tpu.memory_space<vmem>>)
    %dma_wait3A_330 = tpu.memref_slice %arg3[%add3A_313] : memref<1600000xi32, #tpu.memory_space<hbm>> -> memref<10000xi32, #tpu.memory_space<hbm>>
    %dma_wait3A_331 = tpu.memref_slice %arg3[%add3A_313] : memref<1600000xi32, #tpu.memory_space<hbm>> -> memref<10000xi32, #tpu.memory_space<hbm>>
    tpu.wait_dma2 semaphore(%arg14 : memref<!tpu.dma_semaphore, #tpu.memory_space<semaphore_mem>>) src(%dma_wait3A_331 : memref<10000xi32, #tpu.memory_space<hbm>>) dst(%arg8 : memref<10000xi32, #tpu.memory_space<vmem>>)
    %scan3A_332 = arith.constant 0 : i32
    %scan3A_333 = arith.constant 0 : i32
    %scan3A_334 = arith.constant 125 : i32
    %scan3A_335 = arith.addi %scan3A_333, %scan3A_334 : i32
    %scan3A_336 = arith.constant 1 : i32
    scf.for %scan3A_338 = %scan3A_333 to %scan3A_335 step %scan3A_336  : i32 {
      %mul3A_339 = arith.constant 80 : i32
      %mul3A_340 = arith.muli %scan3A_338, %mul3A_339 : i32
      %add3A_341 = arith.constant 0 : i32
      %add3A_342 = arith.addi %mul3A_340, %add3A_341 : i32
      %get3A = arith.index_cast %add3A_342 : i32 to index
      %get3A_343 = tpu.vector_load %arg8[%get3A] {strides = array<i32>} : memref<10000xi32, #tpu.memory_space<vmem>>, vector<16xi32>,
      %get3A_344 = arith.index_cast %add3A_342 : i32 to index
      %get3A_345 = tpu.vector_load %arg6[%get3A_344] {strides = array<i32>} : memref<10000xf32, #tpu.memory_space<vmem>>, vector<16xf32>,
      %mul3A_346 = arith.constant 16 : i32
      %mul3A_347 = vector.broadcast %mul3A_346 : i32 to vector<16xi32>
      %mul3A_348 = arith.muli %get3A_343, %mul3A_347 : vector<16xi32>
      %add3A_349 = arith.addi %mul3A_348, %iota3A : vector<16xi32>
      tpu.vector_store_idx %arg10[%add3A_349], %get3A_345 {add = true} : memref<1024xf32, #tpu.memory_space<vmem>>[vector<16xi32>], vector<16xf32>,
      tpu.vector_store_idx %arg11[%add3A_349], %broadcast_in_dim3A_265 {add = true} : memref<1024xf32, #tpu.memory_space<vmem>>[vector<16xi32>], vector<16xf32>,
      %add3A_350 = arith.constant 16 : i32
      %add3A_351 = arith.addi %mul3A_340, %add3A_350 : i32
      %get3A_352 = arith.index_cast %add3A_351 : i32 to index
      %get3A_353 = tpu.vector_load %arg8[%get3A_352] {strides = array<i32>} : memref<10000xi32, #tpu.memory_space<vmem>>, vector<16xi32>,
      %get3A_354 = arith.index_cast %add3A_351 : i32 to index
      %get3A_355 = tpu.vector_load %arg6[%get3A_354] {strides = array<i32>} : memref<10000xf32, #tpu.memory_space<vmem>>, vector<16xf32>,
      %mul3A_356 = arith.constant 16 : i32
      %mul3A_357 = vector.broadcast %mul3A_356 : i32 to vector<16xi32>
      %mul3A_358 = arith.muli %get3A_353, %mul3A_357 : vector<16xi32>
      %add3A_359 = arith.addi %mul3A_358, %iota3A : vector<16xi32>
      tpu.vector_store_idx %arg10[%add3A_359], %get3A_355 {add = true} : memref<1024xf32, #tpu.memory_space<vmem>>[vector<16xi32>], vector<16xf32>,
      tpu.vector_store_idx %arg11[%add3A_359], %broadcast_in_dim3A_265 {add = true} : memref<1024xf32, #tpu.memory_space<vmem>>[vector<16xi32>], vector<16xf32>,
      %add3A_360 = arith.constant 32 : i32
      %add3A_361 = arith.addi %mul3A_340, %add3A_360 : i32
      %get3A_362 = arith.index_cast %add3A_361 : i32 to index
      %get3A_363 = tpu.vector_load %arg8[%get3A_362] {strides = array<i32>} : memref<10000xi32, #tpu.memory_space<vmem>>, vector<16xi32>,
      %get3A_364 = arith.index_cast %add3A_361 : i32 to index
      %get3A_365 = tpu.vector_load %arg6[%get3A_364] {strides = array<i32>} : memref<10000xf32, #tpu.memory_space<vmem>>, vector<16xf32>,
      %mul3A_366 = arith.constant 16 : i32
      %mul3A_367 = vector.broadcast %mul3A_366 : i32 to vector<16xi32>
      %mul3A_368 = arith.muli %get3A_363, %mul3A_367 : vector<16xi32>
      %add3A_369 = arith.addi %mul3A_368, %iota3A : vector<16xi32>
      tpu.vector_store_idx %arg10[%add3A_369], %get3A_365 {add = true} : memref<1024xf32, #tpu.memory_space<vmem>>[vector<16xi32>], vector<16xf32>,
      tpu.vector_store_idx %arg11[%add3A_369], %broadcast_in_dim3A_265 {add = true} : memref<1024xf32, #tpu.memory_space<vmem>>[vector<16xi32>], vector<16xf32>,
      %add3A_370 = arith.constant 48 : i32
      %add3A_371 = arith.addi %mul3A_340, %add3A_370 : i32
      %get3A_372 = arith.index_cast %add3A_371 : i32 to index
      %get3A_373 = tpu.vector_load %arg8[%get3A_372] {strides = array<i32>} : memref<10000xi32, #tpu.memory_space<vmem>>, vector<16xi32>,
      %get3A_374 = arith.index_cast %add3A_371 : i32 to index
      %get3A_375 = tpu.vector_load %arg6[%get3A_374] {strides = array<i32>} : memref<10000xf32, #tpu.memory_space<vmem>>, vector<16xf32>,
      %mul3A_376 = arith.constant 16 : i32
      %mul3A_377 = vector.broadcast %mul3A_376 : i32 to vector<16xi32>
      %mul3A_378 = arith.muli %get3A_373, %mul3A_377 : vector<16xi32>
      %add3A_379 = arith.addi %mul3A_378, %iota3A : vector<16xi32>
      tpu.vector_store_idx %arg10[%add3A_379], %get3A_375 {add = true} : memref<1024xf32, #tpu.memory_space<vmem>>[vector<16xi32>], vector<16xf32>,
      tpu.vector_store_idx %arg11[%add3A_379], %broadcast_in_dim3A_265 {add = true} : memref<1024xf32, #tpu.memory_space<vmem>>[vector<16xi32>], vector<16xf32>,
      %add3A_380 = arith.constant 64 : i32
      %add3A_381 = arith.addi %mul3A_340, %add3A_380 : i32
      %get3A_382 = arith.index_cast %add3A_381 : i32 to index
      %get3A_383 = tpu.vector_load %arg8[%get3A_382] {strides = array<i32>} : memref<10000xi32, #tpu.memory_space<vmem>>, vector<16xi32>,
      %get3A_384 = arith.index_cast %add3A_381 : i32 to index
      %get3A_385 = tpu.vector_load %arg6[%get3A_384] {strides = array<i32>} : memref<10000xf32, #tpu.memory_space<vmem>>, vector<16xf32>,
      %mul3A_386 = arith.constant 16 : i32
      %mul3A_387 = vector.broadcast %mul3A_386 : i32 to vector<16xi32>
      %mul3A_388 = arith.muli %get3A_383, %mul3A_387 : vector<16xi32>
      %add3A_389 = arith.addi %mul3A_388, %iota3A : vector<16xi32>
      tpu.vector_store_idx %arg10[%add3A_389], %get3A_385 {add = true} : memref<1024xf32, #tpu.memory_space<vmem>>[vector<16xi32>], vector<16xf32>,
      tpu.vector_store_idx %arg11[%add3A_389], %broadcast_in_dim3A_265 {add = true} : memref<1024xf32, #tpu.memory_space<vmem>>[vector<16xi32>], vector<16xf32>,
    }
    %scan3A_337 = arith.constant 125 : i32
    "tpu.region"() ({
      %run_scoped3A = tpu.sem_alloc : memref<!tpu.dma_semaphore, #tpu.memory_space<semaphore_mem>>
      %dma_start3A_338 = arith.constant 0 : i32
      %dma_start3A_339 = tpu.memref_slice %arg4[%add3A, %dma_start3A_338] : memref<32x1024xf32, #tpu.memory_space<hbm>> -> memref<1x1024xf32, #tpu.memory_space<hbm>>
      %dma_start3A_340 = tpu.memref_squeeze %dma_start3A_339 : memref<1x1024xf32, #tpu.memory_space<hbm>> -> memref<1024xf32, #tpu.memory_space<hbm>>
      %dma_start3A_341 = arith.constant 0 : i32
      %dma_start3A_342 = tpu.memref_slice %arg4[%add3A, %dma_start3A_341] : memref<32x1024xf32, #tpu.memory_space<hbm>> -> memref<1x1024xf32, #tpu.memory_space<hbm>>
      %dma_start3A_343 = tpu.memref_squeeze %dma_start3A_342 : memref<1x1024xf32, #tpu.memory_space<hbm>> -> memref<1024xf32, #tpu.memory_space<hbm>>
      tpu.enqueue_dma source(%arg10 : memref<1024xf32, #tpu.memory_space<vmem>>) target(%dma_start3A_343 : memref<1024xf32, #tpu.memory_space<hbm>>) target_semaphore(%run_scoped3A : memref<!tpu.dma_semaphore, #tpu.memory_space<semaphore_mem>>)
      %dma_wait3A_344 = arith.constant 0 : i32
      %dma_wait3A_345 = tpu.memref_slice %arg4[%add3A, %dma_wait3A_344] : memref<32x1024xf32, #tpu.memory_space<hbm>> -> memref<1x1024xf32, #tpu.memory_space<hbm>>
      %dma_wait3A_346 = tpu.memref_squeeze %dma_wait3A_345 : memref<1x1024xf32, #tpu.memory_space<hbm>> -> memref<1024xf32, #tpu.memory_space<hbm>>
      %dma_wait3A_347 = arith.constant 0 : i32
      %dma_wait3A_348 = tpu.memref_slice %arg4[%add3A, %dma_wait3A_347] : memref<32x1024xf32, #tpu.memory_space<hbm>> -> memref<1x1024xf32, #tpu.memory_space<hbm>>
      %dma_wait3A_349 = tpu.memref_squeeze %dma_wait3A_348 : memref<1x1024xf32, #tpu.memory_space<hbm>> -> memref<1024xf32, #tpu.memory_space<hbm>>
      tpu.wait_dma2 semaphore(%run_scoped3A : memref<!tpu.dma_semaphore, #tpu.memory_space<semaphore_mem>>) src(%arg10 : memref<1024xf32, #tpu.memory_space<vmem>>) dst(%dma_wait3A_349 : memref<1024xf32, #tpu.memory_space<hbm>>)
      tpu.yield
    }) : () -> ()
    "tpu.region"() ({
      %run_scoped3A = tpu.sem_alloc : memref<!tpu.dma_semaphore, #tpu.memory_space<semaphore_mem>>
      %dma_start3A_338 = arith.constant 0 : i32
      %dma_start3A_339 = tpu.memref_slice %arg5[%add3A, %dma_start3A_338] : memref<32x1024xf32, #tpu.memory_space<hbm>> -> memref<1x1024xf32, #tpu.memory_space<hbm>>
      %dma_start3A_340 = tpu.memref_squeeze %dma_start3A_339 : memref<1x1024xf32, #tpu.memory_space<hbm>> -> memref<1024xf32, #tpu.memory_space<hbm>>
      %dma_start3A_341 = arith.constant 0 : i32
      %dma_start3A_342 = tpu.memref_slice %arg5[%add3A, %dma_start3A_341] : memref<32x1024xf32, #tpu.memory_space<hbm>> -> memref<1x1024xf32, #tpu.memory_space<hbm>>
      %dma_start3A_343 = tpu.memref_squeeze %dma_start3A_342 : memref<1x1024xf32, #tpu.memory_space<hbm>> -> memref<1024xf32, #tpu.memory_space<hbm>>
      tpu.enqueue_dma source(%arg11 : memref<1024xf32, #tpu.memory_space<vmem>>) target(%dma_start3A_343 : memref<1024xf32, #tpu.memory_space<hbm>>) target_semaphore(%run_scoped3A : memref<!tpu.dma_semaphore, #tpu.memory_space<semaphore_mem>>)
      %dma_wait3A_344 = arith.constant 0 : i32
      %dma_wait3A_345 = tpu.memref_slice %arg5[%add3A, %dma_wait3A_344] : memref<32x1024xf32, #tpu.memory_space<hbm>> -> memref<1x1024xf32, #tpu.memory_space<hbm>>
      %dma_wait3A_346 = tpu.memref_squeeze %dma_wait3A_345 : memref<1x1024xf32, #tpu.memory_space<hbm>> -> memref<1024xf32, #tpu.memory_space<hbm>>
      %dma_wait3A_347 = arith.constant 0 : i32
      %dma_wait3A_348 = tpu.memref_slice %arg5[%add3A, %dma_wait3A_347] : memref<32x1024xf32, #tpu.memory_space<hbm>> -> memref<1x1024xf32, #tpu.memory_space<hbm>>
      %dma_wait3A_349 = tpu.memref_squeeze %dma_wait3A_348 : memref<1x1024xf32, #tpu.memory_space<hbm>> -> memref<1024xf32, #tpu.memory_space<hbm>>
      tpu.wait_dma2 semaphore(%run_scoped3A : memref<!tpu.dma_semaphore, #tpu.memory_space<semaphore_mem>>) src(%arg11 : memref<1024xf32, #tpu.memory_space<vmem>>) dst(%dma_wait3A_349 : memref<1024xf32, #tpu.memory_space<hbm>>)
      tpu.yield
    }) : () -> ()
    return
  }
}

module attributes {stable_mosaic.version = 14 : i64} {
  func.func @_finalize(%arg0: memref<32x1024xf32, #tpu.memory_space<vmem>>, %arg1: memref<32x1024xf32, #tpu.memory_space<vmem>>, %arg2: memref<64x1xf32, #tpu.memory_space<vmem>>, %arg3: memref<1x1xf32, #tpu.memory_space<vmem>>) attributes {dimension_semantics = [], scalar_prefetch = 0 : i64, scratch_operands = 0 : i64, tpu.core_type = #tpu.core_type<tc>} {
    %get3A = arith.constant 0 : index
    %get3A_0 = arith.constant 0 : index
    %get3A_1 = vector.load %arg0[%get3A, %get3A_0] : memref<32x1024xf32, #tpu.memory_space<vmem>>, vector<32x1024xf32>
    %reduce_sum3A = arith.constant dense<0.000000e+00> : vector<1024xf32>
    %reduce_sum3A_2 = vector.multi_reduction <add>, %get3A_1, %reduce_sum3A [0] : vector<32x1024xf32> to vector<1024xf32>
    %broadcast_in_dim3A = vector.shape_cast %reduce_sum3A_2 : vector<1024xf32> to vector<1x1024xf32>
    %get3A_3 = arith.constant 0 : index
    %get3A_4 = arith.constant 0 : index
    %get3A_5 = vector.load %arg1[%get3A_3, %get3A_4] : memref<32x1024xf32, #tpu.memory_space<vmem>>, vector<32x1024xf32>
    %reduce_sum3A_6 = arith.constant dense<0.000000e+00> : vector<1024xf32>
    %reduce_sum3A_7 = vector.multi_reduction <add>, %get3A_5, %reduce_sum3A_6 [0] : vector<32x1024xf32> to vector<1024xf32>
    %broadcast_in_dim3A_8 = vector.shape_cast %reduce_sum3A_7 : vector<1024xf32> to vector<1x1024xf32>
    %iota3A = tpu.iota {dimensions = array<i32: 1>} : vector<64x1024xi32>
    %jit3A = arith.constant 16 : i32
    %div3A = vector.broadcast %jit3A : i32 to vector<64x1024xi32>
    %div3A_9 = arith.divsi %iota3A, %div3A : vector<64x1024xi32>
    %sign3A = arith.constant 0 : i32
    %sign3A_10 = vector.broadcast %sign3A : i32 to vector<64x1024xi32>
    %sign3A_11 = arith.cmpi sgt, %iota3A, %sign3A_10 : vector<64x1024xi32>
    %sign3A_12 = arith.extui %sign3A_11 : vector<64x1024xi1> to vector<64x1024xi32>
    %sign3A_13 = arith.constant 0 : i32
    %sign3A_14 = vector.broadcast %sign3A_13 : i32 to vector<64x1024xi32>
    %sign3A_15 = arith.cmpi slt, %iota3A, %sign3A_14 : vector<64x1024xi32>
    %sign3A_16 = arith.extui %sign3A_15 : vector<64x1024xi1> to vector<64x1024xi32>
    %sign3A_17 = arith.subi %sign3A_12, %sign3A_16 : vector<64x1024xi32>
    %sign3A_18 = arith.constant 0 : i32
    %sign3A_19 = arith.cmpi sgt, %jit3A, %sign3A_18 : i32
    %sign3A_20 = arith.extui %sign3A_19 : i1 to i32
    %sign3A_21 = arith.constant 0 : i32
    %sign3A_22 = arith.cmpi slt, %jit3A, %sign3A_21 : i32
    %sign3A_23 = arith.extui %sign3A_22 : i1 to i32
    %sign3A_24 = arith.subi %sign3A_20, %sign3A_23 : i32
    %ne3A = vector.broadcast %sign3A_24 : i32 to vector<64x1024xi32>
    %ne3A_25 = arith.cmpi ne, %sign3A_17, %ne3A : vector<64x1024xi32>
    %rem3A = vector.broadcast %jit3A : i32 to vector<64x1024xi32>
    %rem3A_26 = arith.remsi %iota3A, %rem3A : vector<64x1024xi32>
    %ne3A_27 = arith.constant 0 : i32
    %ne3A_28 = vector.broadcast %ne3A_27 : i32 to vector<64x1024xi32>
    %ne3A_29 = arith.cmpi ne, %rem3A_26, %ne3A_28 : vector<64x1024xi32>
    %and3A = arith.andi %ne3A_25, %ne3A_29 : vector<64x1024xi1>
    %sub3A = arith.constant 1 : i32
    %sub3A_30 = vector.broadcast %sub3A : i32 to vector<64x1024xi32>
    %sub3A_31 = arith.subi %div3A_9, %sub3A_30 : vector<64x1024xi32>
    %select_n3A = arith.select %and3A, %sub3A_31, %div3A_9 : vector<64x1024xi1>, vector<64x1024xi32>
    %iota3A_32 = tpu.iota {dimensions = array<i32: 0>} : vector<64x1024xi32>
    %eq3A = arith.cmpi eq, %select_n3A, %iota3A_32 : vector<64x1024xi32>
    %broadcast_in_dim3A_33 = vector.shape_cast %broadcast_in_dim3A : vector<1x1024xf32> to vector<1x1024xf32>
    %broadcast_in_dim3A_34 = vector.broadcast %broadcast_in_dim3A_33 : vector<1x1024xf32> to vector<64x1024xf32>
    %jit3A_35 = arith.constant 0.000000e+00 : f32
    %broadcast_in_dim3A_36 = vector.broadcast %jit3A_35 : f32 to vector<64x1024xf32>
    %select_n3A_37 = arith.select %eq3A, %broadcast_in_dim3A_34, %broadcast_in_dim3A_36 : vector<64x1024xi1>, vector<64x1024xf32>
    %reduce_sum3A_38 = arith.constant dense<0.000000e+00> : vector<64xf32>
    %reduce_sum3A_39 = vector.multi_reduction <add>, %select_n3A_37, %reduce_sum3A_38 [1] : vector<64x1024xf32> to vector<64xf32>
    %broadcast_in_dim3A_40 = vector.shape_cast %reduce_sum3A_39 : vector<64xf32> to vector<64x1xf32>
    %broadcast_in_dim3A_41 = vector.shape_cast %broadcast_in_dim3A_8 : vector<1x1024xf32> to vector<1x1024xf32>
    %broadcast_in_dim3A_42 = vector.broadcast %broadcast_in_dim3A_41 : vector<1x1024xf32> to vector<64x1024xf32>
    %jit3A_43 = arith.constant 0.000000e+00 : f32
    %broadcast_in_dim3A_44 = vector.broadcast %jit3A_43 : f32 to vector<64x1024xf32>
    %select_n3A_45 = arith.select %eq3A, %broadcast_in_dim3A_42, %broadcast_in_dim3A_44 : vector<64x1024xi1>, vector<64x1024xf32>
    %reduce_sum3A_46 = arith.constant dense<0.000000e+00> : vector<64xf32>
    %reduce_sum3A_47 = vector.multi_reduction <add>, %select_n3A_45, %reduce_sum3A_46 [1] : vector<64x1024xf32> to vector<64xf32>
    %broadcast_in_dim3A_48 = vector.shape_cast %reduce_sum3A_47 : vector<64xf32> to vector<64x1xf32>
    %gt3A = arith.constant 0.000000e+00 : f32
    %gt3A_49 = vector.broadcast %gt3A : f32 to vector<64x1xf32>
    %gt3A_50 = arith.cmpf ogt, %broadcast_in_dim3A_48, %gt3A_49 : vector<64x1xf32>
    %max3A = arith.constant 1.000000e+00 : f32
    %max3A_51 = vector.broadcast %max3A : f32 to vector<64x1xf32>
    %max3A_52 = arith.maximumf %broadcast_in_dim3A_48, %max3A_51 : vector<64x1xf32>
    %div3A_53 = arith.divf %broadcast_in_dim3A_40, %max3A_52 : vector<64x1xf32>
    %jit3A_54 = arith.constant 0.000000e+00 : f32
    %broadcast_in_dim3A_55 = vector.broadcast %jit3A_54 : f32 to vector<64x1xf32>
    %select_n3A_56 = arith.select %gt3A_50, %div3A_53, %broadcast_in_dim3A_55 : vector<64x1xi1>, vector<64x1xf32>
    %get3A_57 = arith.constant 0 : index
    %get3A_58 = arith.constant 0 : index
    %get3A_59 = vector.load %arg2[%get3A_57, %get3A_58] : memref<64x1xf32, #tpu.memory_space<vmem>>, vector<64x1xf32>
    %mul3A = arith.constant 0.00999999977 : f32
    %mul3A_60 = vector.broadcast %mul3A : f32 to vector<64x1xf32>
    %mul3A_61 = arith.mulf %mul3A_60, %select_n3A_56 : vector<64x1xf32>
    %exp3A = math.exp %mul3A_61 : vector<64x1xf32>
    %mul3A_62 = arith.mulf %get3A_59, %exp3A : vector<64x1xf32>
    %mul3A_63 = arith.mulf %mul3A_62, %mul3A_62 : vector<64x1xf32>
    %reduce_sum3A_64 = vector.shape_cast %mul3A_63 : vector<64x1xf32> to vector<1x64x1xf32>
    %reduce_sum3A_65 = arith.constant dense<0.000000e+00> : vector<1xf32>
    %reduce_sum3A_66 = vector.multi_reduction <add>, %reduce_sum3A_64, %reduce_sum3A_65 [1, 2] : vector<1x64x1xf32> to vector<1xf32>
    %reduce_sum3A_67 = vector.shape_cast %reduce_sum3A_66 : vector<1xf32> to vector<1x1x1xf32>
    %reduce_sum3A_68 = vector.extract %reduce_sum3A_67[0, 0, 0] : f32 from vector<1x1x1xf32>
    %sqrt3A = math.sqrt %reduce_sum3A_68 : f32
    %mul3A_69 = arith.mulf %select_n3A_56, %mul3A_62 : vector<64x1xf32>
    %reduce_sum3A_70 = vector.shape_cast %mul3A_69 : vector<64x1xf32> to vector<1x64x1xf32>
    %reduce_sum3A_71 = arith.constant dense<0.000000e+00> : vector<1xf32>
    %reduce_sum3A_72 = vector.multi_reduction <add>, %reduce_sum3A_70, %reduce_sum3A_71 [1, 2] : vector<1x64x1xf32> to vector<1xf32>
    %reduce_sum3A_73 = vector.shape_cast %reduce_sum3A_72 : vector<1xf32> to vector<1x1x1xf32>
    %reduce_sum3A_74 = vector.extract %reduce_sum3A_73[0, 0, 0] : f32 from vector<1x1x1xf32>
    %max3A_75 = arith.constant 9.99999996E-13 : f32
    %max3A_76 = arith.maximumf %sqrt3A, %max3A_75 : f32
    %div3A_77 = arith.divf %reduce_sum3A_74, %max3A_76 : f32
    %broadcast_in_dim3A_78 = vector.broadcast %div3A_77 : f32 to vector<1x1xf32>
    %swap3A = arith.constant 0 : index
    %swap3A_79 = arith.constant 0 : index
    %swap3A_80 = vector.load %arg3[%swap3A, %swap3A_79] : memref<1x1xf32, #tpu.memory_space<vmem>>, vector<1x1xf32>
    tpu.vector_store %arg3[%swap3A, %swap3A_79], %broadcast_in_dim3A_78 {strides = array<i32>} : memref<1x1xf32, #tpu.memory_space<vmem>>, vector<1x1xf32>,
    return
  }
}

</mosaic_0001>

<sc_bundles>
// kernel: kernel.4.cloned.1.call-start
scs
__scs_entry_jumppad:
0x0: {  	(pc) =	sbr.rel $0x88, $3  }
0x1: {  	(tag) =	ssettag $0x0;
	lr =	simm.s32 $0x1  }
0x2: {  	[smem:$0x3F9E] =	sst lr;
	_ =	strace $0xD0000000  }
0x3: {  	_ = 	snop  }
0x4: {  	_ = 	snop  }
0x5: {  	_ = 	snop  }
0x6: {  	_ = 	snop  }
0x7: {  	_ = 	snop  }
__scs_overlays_trampoline_lowered:
0x8: {  	[smem:$0x3FAD] =	sst s0  }
0x9: {  	[smem:$0x3FAE] =	sst s1  }
0xa: {  	[smem:$0x3FAF] =	sst s2  }
0xb: {  	[smem:$0x3FB0] =	sst s3  }
0xc: {  	[smem:$0x3FB1] =	sst s4  }
0xd: {  	[smem:$0x3FB2] =	sst s5  }
0xe: {  	[smem:$0x3FB3] =	sst s6  }
0xf: {  	[smem:$0x3FB4] =	sst s7  }
0x10: {  	[smem:$0x3FB5] =	sst s8  }
0x11: {  	[smem:$0x3FB6] =	sst s9;
	s0 =	simm.s32 @!p0 $0x0  }
0x12: {  	s1 =	sld [smem:$0x3F9C];
	s0 =	simm.s32 @p0 $0x1  }
0x13: {  	[smem:$0x3FB7] =	sst s0;
	s0 =	simm.s32 @!p1 $0x0  }
0x14: {  	s2 =	sld [smem:$0x3F9B];
	s0 =	simm.s32 @p1 $0x1  }
0x15: {  	[smem:$0x3FB8] =	sst s0;
	s0 =	simm.s32 @!p2 $0x0  }
0x16: {  	s3 =	sld [smem:$0x3FDB];
	s0 =	simm.s32 @p2 $0x1  }
0x17: {  	s4 =	simm.s32 $0x1BF5;
	[smem:$0x3FBA] =	sst s0  }
0x18: {  	s0 =	sld [smem:$0x3F9D];
	_ =	swait.ge [sflag:s4], $0x0  }
0x19: {  	s7 =	sld [smem:$0x3F9E]  }
0x1a: {  	s8 =	sadd.s32 $0xFFFFE003, lr  }
0x1b: {  	s9 =	sadd.s32 $0xFFFFFEF7, lr;
	s5 =	simm.s32 $0xFFFFFFFF;
	p2 =	slt.u32 s8, $0xFFFFF086  }
0x1c: {  	p1 =	slt.u32 s9, $0xF7A;
	s5 =	simm.s32 @!p2 $0x0  }
0x1d: {  	s5 =	simm.s32 @p1 $0x1;
	p0 =	seq.s32 s7, s2  }
0x1e: {  	s7 =	smul.u32 @!p0 $0xF7A, s2;
	p2 =	seq.s32 @!p0 s5, $0x0  }
0x1f: {  	s9 =	smul.u32 $0xF7A, s1;
	s8 =	simm.s32 @!p0 $0x1BF5;
	p2 =	por !p2, p0  }
0x20: {  	[sflag:s8] =	ssyncset.s32 @!p0 $0xFFFFF086;
	s6 =	sadd.s32 @!p0 s3, s7;
	s7 =	simm.s32 @!p0 $0x108  }
0x21: {  	s3 =	sadd.s32 s3, s9;
	s6 =	sadd.s32 @!p0 $0x88, s6;
	s7 =	simm.s32 @p2 $0x1082  }
0x22: {  	[simem:s7], [sflag:s8] =	dma.local @!p0 [hbm:s6], $0xF7A  }
0x23: {  	s9 =	sor.u32 $0xD0000000, s2;
	s6 =	simm.s32 $0x108;
	_ =	swait.ge @!p0 [sflag:s8], $0x0  }
0x24: {  	s3 =	sadd.s32 $0x88, s3;
	s6 =	simm.s32 @!p1 $0x1082;
	[sflag:s4] =	ssyncset.s32 $0xFFFFF086  }
0x25: {  	[simem:s6], [sflag:s4] =	dma.local [hbm:s3], $0xF7A  }
0x26: {  	[smem:$0x3F9E] =	sst s1;
	(tag) =	ssettag s2;
	_ =	strace s9  }
0x27: {  	s1 =	sld [smem:$0x3FAE]  }
0x28: {  	s2 =	sld [smem:$0x3FAF]  }
0x29: {  	s4 =	sld [smem:$0x3FB1]  }
0x2a: {  	p0 =	seq.s32 s5, $0x0;
	s5 =	sld [smem:$0x3FB2]  }
0x2b: {  	s6 =	sld [smem:$0x3FB3]  }
0x2c: {  	s7 =	sld [smem:$0x3FB4]  }
0x2d: {  	s3 =	simm.s32 $0x108;
	s8 =	sld [smem:$0x3FB5]  }
0x2e: {  	s3 =	simm.s32 @!p0 $0x1082;
	s9 =	sld [smem:$0x3FB6]  }
0x2f: {  	lr =	sadd.s32 s0, s3;
	s0 =	sld [smem:$0x3FAD]  }
0x30: {  	s3 =	sld [smem:$0x3FB0]  }
0x31: {  	[smem:$0x3FB9] =	sst s10  }
0x32: {  	s10 =	sld [smem:$0x3FB7];
	_ =	sdelay $0x3  }
0x33: {  	p0 =	seq.s32 s10, $0x1;
	s10 =	sld [smem:$0x3FB9];
	_ =	sdelay $0x3  }
0x34: {  	[smem:$0x3FB9] =	sst s10  }
0x35: {  	s10 =	sld [smem:$0x3FB8];
	_ =	sdelay $0x3  }
0x36: {  	p1 =	seq.s32 s10, $0x1;
	s10 =	sld [smem:$0x3FB9];
	_ =	sdelay $0x3  }
0x37: {  	[smem:$0x3FB9] =	sst s10  }
0x38: {  	s10 =	sld [smem:$0x3FBA]  }
0x39: {  	_ = 	snop;
	(pc) =	sbr.ind lr, $3  }
0x3a: {  	_ = 	snop  }
0x3b: {  	_ = 	snop  }
0x3c: {  	p2 =	seq.s32 s10, $0x1;
	s10 =	sld [smem:$0x3FB9]  }
0x3d: {  	_ =	shalt  }
0x3e: {  	_ =	shalt  }
0x3f: {  	_ =	shalt  }
0x40: {  	_ =	shalt  }
0x41: {  	_ =	shalt  }
0x42: {  	_ =	shalt  }
0x43: {  	_ =	shalt  }
0x44: {  	_ =	shalt  }
0x45: {  	_ =	shalt  }
0x46: {  	_ =	shalt  }
0x47: {  	_ =	shalt  }
0x48: {  	_ =	shalt  }
0x49: {  	_ =	shalt  }
0x4a: {  	_ =	shalt  }
0x4b: {  	_ =	shalt  }
0x4c: {  	_ =	shalt  }
0x4d: {  	_ =	shalt  }
0x4e: {  	_ =	shalt  }
0x4f: {  	_ =	shalt  }
0x50: {  	_ =	shalt  }
0x51: {  	_ =	shalt  }
0x52: {  	_ =	shalt  }
0x53: {  	_ =	shalt  }
0x54: {  	_ =	shalt  }
0x55: {  	_ =	shalt  }
0x56: {  	_ =	shalt  }
0x57: {  	_ =	shalt  }
0x58: {  	_ =	shalt  }
0x59: {  	_ =	shalt  }
0x5a: {  	_ =	shalt  }
0x5b: {  	_ =	shalt  }
0x5c: {  	_ =	shalt  }
0x5d: {  	_ =	shalt  }
0x5e: {  	_ =	shalt  }
0x5f: {  	_ =	shalt  }
0x60: {  	_ =	shalt  }
0x61: {  	_ =	shalt  }
0x62: {  	_ =	shalt  }
0x63: {  	_ =	shalt  }
0x64: {  	_ =	shalt  }
0x65: {  	_ =	shalt  }
0x66: {  	_ =	shalt  }
0x67: {  	_ =	shalt  }
0x68: {  	_ =	shalt  }
0x69: {  	_ =	shalt  }
0x6a: {  	_ =	shalt  }
0x6b: {  	_ =	shalt  }
0x6c: {  	_ =	shalt  }
0x6d: {  	_ =	shalt  }
0x6e: {  	_ =	shalt  }
0x6f: {  	_ =	shalt  }
0x70: {  	_ =	shalt  }
0x71: {  	_ =	shalt  }
0x72: {  	_ =	shalt  }
0x73: {  	_ =	shalt  }
0x74: {  	_ =	shalt  }
0x75: {  	_ =	shalt  }
0x76: {  	_ =	shalt  }
0x77: {  	_ =	shalt  }
0x78: {  	_ =	shalt  }
0x79: {  	_ =	shalt  }
0x7a: {  	_ =	shalt  }
0x7b: {  	_ =	shalt  }
0x7c: {  	_ =	shalt  }
0x7d: {  	_ =	shalt  }
0x7e: {  	_ =	shalt  }
0x7f: {  	_ =	shalt  }
0x80: {  	_ =	shalt  }
0x81: {  	_ =	shalt  }
0x82: {  	_ =	shalt  }
0x83: {  	_ =	shalt  }
0x84: {  	_ =	shalt  }
0x85: {  	_ =	shalt  }
0x86: {  	_ =	shalt  }
0x87: {  	_ =	shalt  }
.Lfunc_end0:
.L_simem_size_0:
called_computation_lowered:
.L_overlay_start_0:
0x88: {  	s2 =	sld [smem:$0x3FD9]  }
0x89: {  	s3 =	sld [smem:$0x3FFE];
	_ =	sdelay $0x1  }
0x8a: {  	s1 =	srdreg.scid  }
0x8b: {  	s0 =	sand.u32 $0x1, s1  }
0x8c: {  	s17 =	sshll.u32 s0, $0xA;
	s2 =	sadd.s32 s3, s2  }
0x8d: {  	s2 =	sadd.s32 s2, s17  }
0x8e: {  	[smem:$0x3FC5] =	sst s2  }
0x8f: {  	_ = 	snop  }
0x90: {  	s2 =	sld [smem:$0x3FC9]  }
0x91: {  	s18 =	sld [smem:$0x3FC8];
	(tm) =	ssettm $0x1  }
0x92: {  	s4 =	sld [smem:$0x3FFB];
	_ =	sdelay $0x3  }
0x93: {  	_ =	strace s4  }
0x94: {  	s4 =	sld [smem:$0x3FFC];
	_ =	sdelay $0x3  }
0x95: {  	_ =	strace s4  }
0x96: {  	s4 =	sld [smem:$0x3FFD];
	_ =	sdelay $0x3  }
0x97: {  	_ =	strace s4  }
0x98: {  	_ =	strace $0x8FFFFFFF  }
0x99: {  	s19 =	sld [smem:$0x3FDB];
	_ =	sdelay $0x1  }
0x9a: {  	s5 =	simm.s32 $_scs_section_size  }
0x9b: {  	s6 =	simm.s32 $_size__tile_overlayer_lowered;
	s7 =	simm.s32 $_tile_overlayer_lowered  }
0x9c: {  	s22 =	simm.s32 $0x1BFF;
	s21 =	sshll.u32 s7, $0x1;
	s4 =	sadd.s32 s5, s19  }
0x9d: {  	s8 =	simm.s32 $0x0;
	s20 =	sshll.u32 s6, $0x1;
	s6 =	sadd.s32 s21, s4  }
0x9e: {  	[timem:s8], [sflag:s22] =	dma.local [hbm:s6], s20  }
0x9f: {  	_ =	swait.ge [sflag:s22], s20  }
0xa0: {  	s5 =	ssub.s32 $0x0, s20;
	[sflag:s22] =	ssyncset.done $0x0  }
0xa1: {  	[sflag:s22] =	ssyncadd.s32 s5;
	_ =	sdelay $0x1  }
0xa2: {  	s23 =	simm.s32 $0x1B8B  }
0xa3: {  	_ =	swait.ge [sflag:s23], $0x1  }
0xa4: {  	[sflag:s23] =	ssyncset.done $0x0  }
0xa5: {  	s25 =	simm.s32 $0x1B8E;
	s24 =	sld [smem:$0x3FFE];
	[sflag:s23] =	ssyncadd.s32 $0xFFFFFFFF  }
0xa6: {  	s26 =	simm.s32 $execute0_lowered;
	[smem:$0x3FD2] =	sst s25  }
0xa7: {  	s6 =	sshll.u32 s26, $0x1;
	_ =	strace $0x80000046;
	[dreg:$0x1] =	wrdreg $0xFFFFFFFF  }
0xa8: {  	s28 =	simm.s32 $_size_execute0_lowered;
	s4 =	sadd.s32 s4, s6;
	[dreg:$0x0] =	wrdreg $0x0  }
0xa9: {  	s6 =	sshll.u32 s28, $0x1;
	[dreg:$0x2] =	wrdreg s4  }
0xaa: {  	[dreg:$0x3] =	wrdreg s6  }
0xab: {  	[dreg:$0x4] =	wrdreg $0xC0  }
0xac: {  	_ =	task [dreg:s8], $0x5FFFF  }
0xad: {  	[dreg:$0x1] =	wrdreg $0xFFFFFFFF  }
0xae: {  	[dreg:$0x0] =	wrdreg $0x60  }
0xaf: {  	[dreg:$0x2] =	wrdreg s2  }
0xb0: {  	[dreg:$0x3] =	wrdreg s18  }
0xb1: {  	[dreg:$0x4] =	wrdreg s24  }
0xb2: {  	[dreg:$0x5] =	wrdreg $0x9  }
0xb3: {  	_ =	task.clear_ibuf [dreg:s8], $0x6FFFF;
	_ =	strace $0x90000046  }
0xb4: {  	s29 =	simm.s32 $0x9;
	_ =	strace $0x80000048  }
0xb5: {  	_ =	swait.ge [sflag:s29], $0x1  }
0xb6: {  	[sflag:s29] =	ssyncadd.s32 $0xFFFFFFFF  }
0xb7: {  	_ =	strace $0x90000048  }
0xb8: {  	_ =	sfence  }
0xb9: {  	s30 =	sld [smem:$0x0];
	_ =	sdelay $0x2  }
0xba: {  	s31 =	sshll.u32 s1, $0xD;
	s1 =	sshrl.u32 s1, $0x2  }
0xbb: {  	s3 =	sand.u32 $0x4000, s31;
	s1 =	sadd.s32 s1, s30  }
0xbc: {  	s0 =	sor.u32 s3, s0;
	s1 =	sshll.u32 s1, $0x11  }
0xbd: {  	s0 =	sor.u32 s1, s0  }
0xbe: {  	s0 =	sadd.s32 $0x8F2B, s0  }
0xbf: {  	[sflag:s0] =	ssyncadd.remote.s32 $0x1  }
0xc0: {  	_ =	sfence.sel $0xFFFF  }
0xc1: {  	[dreg:$0x0] =	wrdreg $0xFFFFFFFF;
	(pc) =	sbr.abs _section_cstart, $3  }
0xc2: {  	[dreg:$0x1] =	wrdreg $0xFFFFFFFF  }
0xc3: {  	_ =	task.clear_ibuf [dreg:s8], $0x2FFFF;
	_ =	strace $0x9FFFFFFF  }
0xc4: {  	(tm) =	ssettm $0x7FFFFFFF  }
0xc5: {  	_ =	shalt  }
tec
execute0_lowered:
.L_overlay_start_1:
0x0: {  	(tag) =	ssettag $0x1  }
0x1: {  	s11 =	rddreg [dreg:$0x0]  }
0x2: {  	s12 =	rddreg [dreg:$0x1];
	s1 =	srdreg.scid  }
0x3: {  	s0 =	stileid.u32;
	s3 =	rddreg [dreg:$0x2]  }
0x4: {  	s2 =	simm.s32 $0x0;
	s16 =	simm.s32 $0x4E20;
	s17 =	simm.s32 $0x2710  }
0x5: {  	s18 =	simm.s32 $0x7530;
	s19 =	simm.s32 $0x1;
	s20 =	simm.s32 $0x3  }
0x6: {  	s21 =	simm.s32 $0x9C40;
	s22 =	simm.s32 $0xA040;
	s23 =	simm.s32 $0x2  }
0x7: {  	s24 =	simm.s32 $0x4;
	s4 =	sand.u32 $0x1, s1;
	s5 =	sshll.u32 s0, $0x1  }
0x8: {  	s25 =	simm.s32 $0x5;
	s26 =	simm.s32 $0x0;
	s5 =	sor.u32 s4, s5  }
0x9: {  	[smem:$0x7FF] =	sst s2;
	s4 =	ssub.s32 $0x2, s4;
	s6 =	smul.u32 $0xC350, s5  }
0xa: {  	s1 =	rddreg [dreg:$0x3];
	_ =	strace $0x80000047;
	s7 =	sshrl.u32 s4, $0x1  }
0xb: {  	s5 =	sshll.u32 s5, $0x7;
	s15 =	ssub.s32 s4, s7;
	s9 =	sshrl.u32 s6, $0x3  }
0xc: {  	s14 =	sadd.s32 s5, s3;
	s15 =	smax.u32 s15, $0x1;
	s3 =	sadd.s32 s11, s9  }
0xd: {  	s4 =	sadd.s32 s12, s9;
	s6 =	sadd.s32 $0x4E2, s9;
	s8 =	sadd.s32 $0x9C4, s9  }
0xe: {  	s10 =	sadd.s32 $0xEA6, s9;
	s13 =	sadd.s32 $0x1388, s9;
	s5 =	sadd.s32 s11, s6  }
0xf: {  	s6 =	sadd.s32 s12, s6;
	s7 =	sadd.s32 s11, s8;
	s8 =	sadd.s32 s12, s8  }
0x10: {  	s9 =	sadd.s32 s11, s10;
	s10 =	sadd.s32 s12, s10;
	s11 =	sadd.s32 s11, s13  }
0x11: {  	v0 =	vimm.f32 $0.0e+00;
	v1 =	vlaneseq.u32;
	v2 =	vimm.f32 $1.000000000e+00;
	s12 =	sadd.s32 s12, s13;
	s13 =	sadd.s32 $0x1A00, s14;
	s14 =	sadd.s32 $0xA00, s14  }
.LBB2_1:
0x12: {  	[tilespmem:s2], [sflag:$0x1] =	stream.linear.gather [hbm4b:s3+s2], $0x2710, $0x38;
	[tilespmem:$0xA440] =	vst v63  }
0x13: {  	_ = 	snop  }
0x14: {  	[tilespmem:s16], [sflag:$0x3] =	stream.linear.gather [hbm4b:s4+s2], $0x2710, $0x38;
	[tilespmem:$0xA440] =	vst v63  }
0x15: {  	[tilespmem:$0x9C40] =	vst v0  }
0x16: {  	[tilespmem:$0xA040] =	vst v0  }
0x17: {  	[tilespmem:$0x9C50] =	vst v0  }
0x18: {  	[tilespmem:$0xA050] =	vst v0  }
0x19: {  	[tilespmem:$0x9C60] =	vst v0  }
0x1a: {  	[tilespmem:$0xA060] =	vst v0  }
0x1b: {  	[tilespmem:$0x9C70] =	vst v0  }
0x1c: {  	[tilespmem:$0xA070] =	vst v0  }
0x1d: {  	[tilespmem:$0x9C80] =	vst v0  }
0x1e: {  	[tilespmem:$0xA080] =	vst v0  }
0x1f: {  	[tilespmem:$0x9C90] =	vst v0  }
0x20: {  	[tilespmem:$0xA090] =	vst v0  }
0x21: {  	[tilespmem:$0x9CA0] =	vst v0  }
0x22: {  	[tilespmem:$0xA0A0] =	vst v0  }
0x23: {  	[tilespmem:$0x9CB0] =	vst v0  }
0x24: {  	[tilespmem:$0xA0B0] =	vst v0  }
0x25: {  	[tilespmem:$0x9CC0] =	vst v0  }
0x26: {  	[tilespmem:$0xA0C0] =	vst v0  }
0x27: {  	[tilespmem:$0x9CD0] =	vst v0  }
0x28: {  	[tilespmem:$0xA0D0] =	vst v0  }
0x29: {  	[tilespmem:$0x9CE0] =	vst v0  }
0x2a: {  	[tilespmem:$0xA0E0] =	vst v0  }
0x2b: {  	[tilespmem:$0x9CF0] =	vst v0  }
0x2c: {  	[tilespmem:$0xA0F0] =	vst v0  }
0x2d: {  	[tilespmem:$0x9D00] =	vst v0  }
0x2e: {  	[tilespmem:$0xA100] =	vst v0  }
0x2f: {  	[tilespmem:$0x9D10] =	vst v0  }
0x30: {  	[tilespmem:$0xA110] =	vst v0  }
0x31: {  	[tilespmem:$0x9D20] =	vst v0  }
0x32: {  	[tilespmem:$0xA120] =	vst v0  }
0x33: {  	[tilespmem:$0x9D30] =	vst v0  }
0x34: {  	[tilespmem:$0xA130] =	vst v0  }
0x35: {  	[tilespmem:$0x9D40] =	vst v0  }
0x36: {  	[tilespmem:$0xA140] =	vst v0  }
0x37: {  	[tilespmem:$0x9D50] =	vst v0  }
0x38: {  	[tilespmem:$0xA150] =	vst v0  }
0x39: {  	[tilespmem:$0x9D60] =	vst v0  }
0x3a: {  	[tilespmem:$0xA160] =	vst v0  }
0x3b: {  	[tilespmem:$0x9D70] =	vst v0  }
0x3c: {  	[tilespmem:$0xA170] =	vst v0  }
0x3d: {  	[tilespmem:$0x9D80] =	vst v0  }
0x3e: {  	[tilespmem:$0xA180] =	vst v0  }
0x3f: {  	[tilespmem:$0x9D90] =	vst v0  }
0x40: {  	[tilespmem:$0xA190] =	vst v0  }
0x41: {  	[tilespmem:$0x9DA0] =	vst v0  }
0x42: {  	[tilespmem:$0xA1A0] =	vst v0  }
0x43: {  	[tilespmem:$0x9DB0] =	vst v0  }
0x44: {  	[tilespmem:$0xA1B0] =	vst v0  }
0x45: {  	[tilespmem:$0x9DC0] =	vst v0  }
0x46: {  	[tilespmem:$0xA1C0] =	vst v0  }
0x47: {  	[tilespmem:$0x9DD0] =	vst v0  }
0x48: {  	[tilespmem:$0xA1D0] =	vst v0  }
0x49: {  	[tilespmem:$0x9DE0] =	vst v0  }
0x4a: {  	[tilespmem:$0xA1E0] =	vst v0  }
0x4b: {  	[tilespmem:$0x9DF0] =	vst v0  }
0x4c: {  	[tilespmem:$0xA1F0] =	vst v0  }
0x4d: {  	[tilespmem:$0x9E00] =	vst v0  }
0x4e: {  	[tilespmem:$0xA200] =	vst v0  }
0x4f: {  	[tilespmem:$0x9E10] =	vst v0  }
0x50: {  	[tilespmem:$0xA210] =	vst v0  }
0x51: {  	[tilespmem:$0x9E20] =	vst v0  }
0x52: {  	[tilespmem:$0xA220] =	vst v0  }
0x53: {  	[tilespmem:$0x9E30] =	vst v0  }
0x54: {  	[tilespmem:$0xA230] =	vst v0  }
0x55: {  	[tilespmem:$0x9E40] =	vst v0  }
0x56: {  	[tilespmem:$0xA240] =	vst v0  }
0x57: {  	[tilespmem:$0x9E50] =	vst v0  }
0x58: {  	[tilespmem:$0xA250] =	vst v0  }
0x59: {  	[tilespmem:$0x9E60] =	vst v0  }
0x5a: {  	[tilespmem:$0xA260] =	vst v0  }
0x5b: {  	[tilespmem:$0x9E70] =	vst v0  }
0x5c: {  	[tilespmem:$0xA270] =	vst v0  }
0x5d: {  	[tilespmem:$0x9E80] =	vst v0  }
0x5e: {  	[tilespmem:$0xA280] =	vst v0  }
0x5f: {  	[tilespmem:$0x9E90] =	vst v0  }
0x60: {  	[tilespmem:$0xA290] =	vst v0  }
0x61: {  	[tilespmem:$0x9EA0] =	vst v0  }
0x62: {  	[tilespmem:$0xA2A0] =	vst v0  }
0x63: {  	[tilespmem:$0x9EB0] =	vst v0  }
0x64: {  	[tilespmem:$0xA2B0] =	vst v0  }
0x65: {  	[tilespmem:$0x9EC0] =	vst v0  }
0x66: {  	[tilespmem:$0xA2C0] =	vst v0  }
0x67: {  	[tilespmem:$0x9ED0] =	vst v0  }
0x68: {  	[tilespmem:$0xA2D0] =	vst v0  }
0x69: {  	[tilespmem:$0x9EE0] =	vst v0  }
0x6a: {  	[tilespmem:$0xA2E0] =	vst v0  }
0x6b: {  	[tilespmem:$0x9EF0] =	vst v0  }
0x6c: {  	[tilespmem:$0xA2F0] =	vst v0  }
0x6d: {  	[tilespmem:$0x9F00] =	vst v0  }
0x6e: {  	[tilespmem:$0xA300] =	vst v0  }
0x6f: {  	[tilespmem:$0x9F10] =	vst v0  }
0x70: {  	[tilespmem:$0xA310] =	vst v0  }
0x71: {  	[tilespmem:$0x9F20] =	vst v0  }
0x72: {  	[tilespmem:$0xA320] =	vst v0  }
0x73: {  	[tilespmem:$0x9F30] =	vst v0  }
0x74: {  	[tilespmem:$0xA330] =	vst v0  }
0x75: {  	[tilespmem:$0x9F40] =	vst v0  }
0x76: {  	[tilespmem:$0xA340] =	vst v0  }
0x77: {  	[tilespmem:$0x9F50] =	vst v0  }
0x78: {  	[tilespmem:$0xA350] =	vst v0  }
0x79: {  	[tilespmem:$0x9F60] =	vst v0  }
0x7a: {  	[tilespmem:$0xA360] =	vst v0  }
0x7b: {  	[tilespmem:$0x9F70] =	vst v0  }
0x7c: {  	[tilespmem:$0xA370] =	vst v0  }
0x7d: {  	[tilespmem:$0x9F80] =	vst v0  }
0x7e: {  	[tilespmem:$0xA380] =	vst v0  }
0x7f: {  	[tilespmem:$0x9F90] =	vst v0  }
0x80: {  	[tilespmem:$0xA390] =	vst v0  }
0x81: {  	[tilespmem:$0x9FA0] =	vst v0  }
0x82: {  	[tilespmem:$0xA3A0] =	vst v0  }
0x83: {  	[tilespmem:$0x9FB0] =	vst v0  }
0x84: {  	[tilespmem:$0xA3B0] =	vst v0  }
0x85: {  	[tilespmem:$0x9FC0] =	vst v0  }
0x86: {  	[tilespmem:$0xA3C0] =	vst v0  }
0x87: {  	[tilespmem:$0x9FD0] =	vst v0  }
0x88: {  	[tilespmem:$0xA3D0] =	vst v0  }
0x89: {  	[tilespmem:$0x9FE0] =	vst v0  }
0x8a: {  	[tilespmem:$0xA3E0] =	vst v0  }
0x8b: {  	[tilespmem:$0x9FF0] =	vst v0  }
0x8c: {  	[tilespmem:$0xA3F0] =	vst v0  }
0x8d: {  	[tilespmem:$0xA000] =	vst v0  }
0x8e: {  	[tilespmem:$0xA400] =	vst v0  }
0x8f: {  	[tilespmem:$0xA010] =	vst v0  }
0x90: {  	[tilespmem:$0xA410] =	vst v0  }
0x91: {  	[tilespmem:$0xA020] =	vst v0  }
0x92: {  	[tilespmem:$0xA420] =	vst v0  }
0x93: {  	[tilespmem:$0xA030] =	vst v0  }
0x94: {  	[tilespmem:$0xA430] =	vst v0  }
0x95: {  	[tilespmem:s17], [sflag:$0x2] =	stream.linear.gather [hbm4b:s5+s2], $0x2710, $0x38;
	[tilespmem:$0xA440] =	vst v63  }
0x96: {  	_ = 	snop  }
0x97: {  	[tilespmem:s18], [sflag:$0x4] =	stream.linear.gather [hbm4b:s6+s2], $0x2710, $0x38;
	[tilespmem:$0xA440] =	vst v63  }
0x98: {  	_ =	swait.ge [sflag:s19], $0x2710  }
0x99: {  	[sflag:s19] =	ssyncset.done $0x0  }
0x9a: {  	[sflag:s19] =	ssyncadd.s32 $0xFFFFD8F0  }
0x9b: {  	_ =	swait.ge [sflag:s20], $0x2710  }
0x9c: {  	[sflag:s20] =	ssyncset.done $0x0  }
0x9d: {  	s28 =	simm.s32 $0x0;
	[sflag:s20] =	ssyncadd.s32 $0xFFFFD8F0  }
.LBB2_2:
0x9e: {  	s29 =	sshra.s32 s28, $0x2  }
0x9f: {  	v3 =	vld [tilespmem:s29+$0x4E20];
	_ =	sdelay $0x4  }
0xa0: {  	v3 =	vshll.u32 v3, $0x4  }
0xa1: {  	v4 =	vld [tilespmem:s29+$0x0];
	v3 =	vor.u32 v1, v3;
	_ =	sdelay $0x4  }
0xa2: {  	[tilespmem:v3+s21+$0x0] =	vst.idx.add.f32.msk $0xffff, v4  }
0xa3: {  	[tilespmem:v3+s22+$0x0] =	vst.idx.add.f32.msk $0xffff, v2  }
0xa4: {  	v3 =	vld [tilespmem:s29+$0x4E30];
	_ =	sdelay $0x4  }
0xa5: {  	v3 =	vshll.u32 v3, $0x4  }
0xa6: {  	v4 =	vld [tilespmem:s29+$0x10];
	v3 =	vor.u32 v1, v3;
	_ =	sdelay $0x4  }
0xa7: {  	[tilespmem:v3+s21+$0x0] =	vst.idx.add.f32.msk $0xffff, v4  }
0xa8: {  	[tilespmem:v3+s22+$0x0] =	vst.idx.add.f32.msk $0xffff, v2  }
0xa9: {  	v3 =	vld [tilespmem:s29+$0x4E40];
	_ =	sdelay $0x4  }
0xaa: {  	v3 =	vshll.u32 v3, $0x4  }
0xab: {  	v4 =	vld [tilespmem:s29+$0x20];
	v3 =	vor.u32 v1, v3;
	_ =	sdelay $0x4  }
0xac: {  	[tilespmem:v3+s21+$0x0] =	vst.idx.add.f32.msk $0xffff, v4  }
0xad: {  	[tilespmem:v3+s22+$0x0] =	vst.idx.add.f32.msk $0xffff, v2  }
0xae: {  	v3 =	vld [tilespmem:s29+$0x4E50];
	_ =	sdelay $0x4  }
0xaf: {  	v3 =	vshll.u32 v3, $0x4  }
0xb0: {  	v4 =	vld [tilespmem:s29+$0x30];
	v3 =	vor.u32 v1, v3;
	_ =	sdelay $0x4  }
0xb1: {  	[tilespmem:v3+s21+$0x0] =	vst.idx.add.f32.msk $0xffff, v4  }
0xb2: {  	[tilespmem:v3+s22+$0x0] =	vst.idx.add.f32.msk $0xffff, v2  }
0xb3: {  	v3 =	vld [tilespmem:s29+$0x4E60];
	_ =	sdelay $0x4  }
0xb4: {  	v3 =	vshll.u32 v3, $0x4  }
0xb5: {  	v4 =	vld [tilespmem:s29+$0x40];
	v3 =	vor.u32 v1, v3  }
0xb6: {  	p0 =	sne.s32 s28, $0x9B00  }
.Ltmp0:
0xb7: {  	_ = 	snop;
	(pc) =	sbr.rel @p0 .LBB2_2-.Ltmp0, $3  }
0xb8: {  	_ =	sdelay $0x1  }
0xb9: {  	[tilespmem:v3+s21+$0x0] =	vst.idx.add.f32.msk $0xffff, v4  }
0xba: {  	s28 =	sadd.s32 $0x140, s28;
	[tilespmem:v3+s22+$0x0] =	vst.idx.add.f32.msk $0xffff, v2  }
0xbb: {  	s28 =	simm.s32 $0x0  }
0xbc: {  	[tilespmem:s28], [sflag:$0x1] =	stream.linear.gather [hbm4b:s7+s28], $0x2710, $0x38;
	[tilespmem:$0xA440] =	vst v63  }
0xbd: {  	_ = 	snop  }
0xbe: {  	[tilespmem:s16], [sflag:$0x3] =	stream.linear.gather [hbm4b:s8+s28], $0x2710, $0x38;
	[tilespmem:$0xA440] =	vst v63  }
0xbf: {  	_ =	swait.ge [sflag:s23], $0x2710  }
0xc0: {  	[sflag:s23] =	ssyncset.done $0x0  }
0xc1: {  	[sflag:s23] =	ssyncadd.s32 $0xFFFFD8F0  }
0xc2: {  	_ =	swait.ge [sflag:s24], $0x2710  }
0xc3: {  	[sflag:s24] =	ssyncset.done $0x0  }
0xc4: {  	[sflag:s24] =	ssyncadd.s32 $0xFFFFD8F0  }
.LBB2_4:
0xc5: {  	s29 =	sshra.s32 s28, $0x2  }
0xc6: {  	v3 =	vld [tilespmem:s29+$0x7530];
	_ =	sdelay $0x4  }
0xc7: {  	v3 =	vshll.u32 v3, $0x4  }
0xc8: {  	v4 =	vld [tilespmem:s29+$0x2710];
	v3 =	vor.u32 v1, v3;
	_ =	sdelay $0x4  }
0xc9: {  	[tilespmem:v3+s21+$0x0] =	vst.idx.add.f32.msk $0xffff, v4  }
0xca: {  	[tilespmem:v3+s22+$0x0] =	vst.idx.add.f32.msk $0xffff, v2  }
0xcb: {  	v3 =	vld [tilespmem:s29+$0x7540];
	_ =	sdelay $0x4  }
0xcc: {  	v3 =	vshll.u32 v3, $0x4  }
0xcd: {  	v4 =	vld [tilespmem:s29+$0x2720];
	v3 =	vor.u32 v1, v3;
	_ =	sdelay $0x4  }
0xce: {  	[tilespmem:v3+s21+$0x0] =	vst.idx.add.f32.msk $0xffff, v4  }
0xcf: {  	[tilespmem:v3+s22+$0x0] =	vst.idx.add.f32.msk $0xffff, v2  }
0xd0: {  	v3 =	vld [tilespmem:s29+$0x7550];
	_ =	sdelay $0x4  }
0xd1: {  	v3 =	vshll.u32 v3, $0x4  }
0xd2: {  	v4 =	vld [tilespmem:s29+$0x2730];
	v3 =	vor.u32 v1, v3;
	_ =	sdelay $0x4  }
0xd3: {  	[tilespmem:v3+s21+$0x0] =	vst.idx.add.f32.msk $0xffff, v4  }
0xd4: {  	[tilespmem:v3+s22+$0x0] =	vst.idx.add.f32.msk $0xffff, v2  }
0xd5: {  	v3 =	vld [tilespmem:s29+$0x7560];
	_ =	sdelay $0x4  }
0xd6: {  	v3 =	vshll.u32 v3, $0x4  }
0xd7: {  	v4 =	vld [tilespmem:s29+$0x2740];
	v3 =	vor.u32 v1, v3;
	_ =	sdelay $0x4  }
0xd8: {  	[tilespmem:v3+s21+$0x0] =	vst.idx.add.f32.msk $0xffff, v4  }
0xd9: {  	[tilespmem:v3+s22+$0x0] =	vst.idx.add.f32.msk $0xffff, v2  }
0xda: {  	v3 =	vld [tilespmem:s29+$0x7570];
	_ =	sdelay $0x4  }
0xdb: {  	v3 =	vshll.u32 v3, $0x4  }
0xdc: {  	v4 =	vld [tilespmem:s29+$0x2750];
	v3 =	vor.u32 v1, v3  }
0xdd: {  	p0 =	sne.s32 s28, $0x9B00  }
.Ltmp1:
0xde: {  	_ = 	snop;
	(pc) =	sbr.rel @p0 .LBB2_4-.Ltmp1, $3  }
0xdf: {  	_ =	sdelay $0x1  }
0xe0: {  	[tilespmem:v3+s21+$0x0] =	vst.idx.add.f32.msk $0xffff, v4  }
0xe1: {  	s28 =	sadd.s32 $0x140, s28;
	[tilespmem:v3+s22+$0x0] =	vst.idx.add.f32.msk $0xffff, v2  }
0xe2: {  	s28 =	simm.s32 $0x0  }
0xe3: {  	[tilespmem:s17], [sflag:$0x2] =	stream.linear.gather [hbm4b:s9+s28], $0x2710, $0x38;
	[tilespmem:$0xA440] =	vst v63  }
0xe4: {  	_ = 	snop  }
0xe5: {  	[tilespmem:s18], [sflag:$0x4] =	stream.linear.gather [hbm4b:s10+s28], $0x2710, $0x38;
	[tilespmem:$0xA440] =	vst v63  }
0xe6: {  	_ =	swait.ge [sflag:s19], $0x2710  }
0xe7: {  	[sflag:s19] =	ssyncset.done $0x0  }
0xe8: {  	[sflag:s19] =	ssyncadd.s32 $0xFFFFD8F0  }
0xe9: {  	_ =	swait.ge [sflag:s20], $0x2710  }
0xea: {  	[sflag:s20] =	ssyncset.done $0x0  }
0xeb: {  	[sflag:s20] =	ssyncadd.s32 $0xFFFFD8F0  }
.LBB2_6:
0xec: {  	s29 =	sshra.s32 s28, $0x2  }
0xed: {  	v3 =	vld [tilespmem:s29+$0x4E20];
	_ =	sdelay $0x4  }
0xee: {  	v3 =	vshll.u32 v3, $0x4  }
0xef: {  	v4 =	vld [tilespmem:s29+$0x0];
	v3 =	vor.u32 v1, v3;
	_ =	sdelay $0x4  }
0xf0: {  	[tilespmem:v3+s21+$0x0] =	vst.idx.add.f32.msk $0xffff, v4  }
0xf1: {  	[tilespmem:v3+s22+$0x0] =	vst.idx.add.f32.msk $0xffff, v2  }
0xf2: {  	v3 =	vld [tilespmem:s29+$0x4E30];
	_ =	sdelay $0x4  }
0xf3: {  	v3 =	vshll.u32 v3, $0x4  }
0xf4: {  	v4 =	vld [tilespmem:s29+$0x10];
	v3 =	vor.u32 v1, v3;
	_ =	sdelay $0x4  }
0xf5: {  	[tilespmem:v3+s21+$0x0] =	vst.idx.add.f32.msk $0xffff, v4  }
0xf6: {  	[tilespmem:v3+s22+$0x0] =	vst.idx.add.f32.msk $0xffff, v2  }
0xf7: {  	v3 =	vld [tilespmem:s29+$0x4E40];
	_ =	sdelay $0x4  }
0xf8: {  	v3 =	vshll.u32 v3, $0x4  }
0xf9: {  	v4 =	vld [tilespmem:s29+$0x20];
	v3 =	vor.u32 v1, v3;
	_ =	sdelay $0x4  }
0xfa: {  	[tilespmem:v3+s21+$0x0] =	vst.idx.add.f32.msk $0xffff, v4  }
0xfb: {  	[tilespmem:v3+s22+$0x0] =	vst.idx.add.f32.msk $0xffff, v2  }
0xfc: {  	v3 =	vld [tilespmem:s29+$0x4E50];
	_ =	sdelay $0x4  }
0xfd: {  	v3 =	vshll.u32 v3, $0x4  }
0xfe: {  	v4 =	vld [tilespmem:s29+$0x30];
	v3 =	vor.u32 v1, v3;
	_ =	sdelay $0x4  }
0xff: {  	[tilespmem:v3+s21+$0x0] =	vst.idx.add.f32.msk $0xffff, v4  }
0x100: {  	[tilespmem:v3+s22+$0x0] =	vst.idx.add.f32.msk $0xffff, v2  }
0x101: {  	v3 =	vld [tilespmem:s29+$0x4E60];
	_ =	sdelay $0x4  }
0x102: {  	v3 =	vshll.u32 v3, $0x4  }
0x103: {  	v4 =	vld [tilespmem:s29+$0x40];
	v3 =	vor.u32 v1, v3  }
0x104: {  	p0 =	sne.s32 s28, $0x9B00  }
.Ltmp2:
0x105: {  	_ = 	snop;
	(pc) =	sbr.rel @p0 .LBB2_6-.Ltmp2, $3  }
0x106: {  	_ =	sdelay $0x1  }
0x107: {  	[tilespmem:v3+s21+$0x0] =	vst.idx.add.f32.msk $0xffff, v4  }
0x108: {  	s28 =	sadd.s32 $0x140, s28;
	[tilespmem:v3+s22+$0x0] =	vst.idx.add.f32.msk $0xffff, v2  }
0x109: {  	s28 =	simm.s32 $0x0  }
0x10a: {  	[tilespmem:s28], [sflag:$0x1] =	stream.linear.gather [hbm4b:s11+s28], $0x2710, $0x38;
	[tilespmem:$0xA440] =	vst v63  }
0x10b: {  	_ = 	snop  }
0x10c: {  	[tilespmem:s16], [sflag:$0x3] =	stream.linear.gather [hbm4b:s12+s28], $0x2710, $0x38;
	[tilespmem:$0xA440] =	vst v63  }
0x10d: {  	_ =	swait.ge [sflag:s23], $0x2710  }
0x10e: {  	[sflag:s23] =	ssyncset.done $0x0  }
0x10f: {  	[sflag:s23] =	ssyncadd.s32 $0xFFFFD8F0  }
0x110: {  	_ =	swait.ge [sflag:s24], $0x2710  }
0x111: {  	[sflag:s24] =	ssyncset.done $0x0  }
0x112: {  	[sflag:s24] =	ssyncadd.s32 $0xFFFFD8F0  }
.LBB2_8:
0x113: {  	s29 =	sshra.s32 s28, $0x2  }
0x114: {  	v3 =	vld [tilespmem:s29+$0x7530];
	_ =	sdelay $0x4  }
0x115: {  	v3 =	vshll.u32 v3, $0x4  }
0x116: {  	v4 =	vld [tilespmem:s29+$0x2710];
	v3 =	vor.u32 v1, v3;
	_ =	sdelay $0x4  }
0x117: {  	[tilespmem:v3+s21+$0x0] =	vst.idx.add.f32.msk $0xffff, v4  }
0x118: {  	[tilespmem:v3+s22+$0x0] =	vst.idx.add.f32.msk $0xffff, v2  }
0x119: {  	v3 =	vld [tilespmem:s29+$0x7540];
	_ =	sdelay $0x4  }
0x11a: {  	v3 =	vshll.u32 v3, $0x4  }
0x11b: {  	v4 =	vld [tilespmem:s29+$0x2720];
	v3 =	vor.u32 v1, v3;
	_ =	sdelay $0x4  }
0x11c: {  	[tilespmem:v3+s21+$0x0] =	vst.idx.add.f32.msk $0xffff, v4  }
0x11d: {  	[tilespmem:v3+s22+$0x0] =	vst.idx.add.f32.msk $0xffff, v2  }
0x11e: {  	v3 =	vld [tilespmem:s29+$0x7550];
	_ =	sdelay $0x4  }
0x11f: {  	v3 =	vshll.u32 v3, $0x4  }
0x120: {  	v4 =	vld [tilespmem:s29+$0x2730];
	v3 =	vor.u32 v1, v3;
	_ =	sdelay $0x4  }
0x121: {  	[tilespmem:v3+s21+$0x0] =	vst.idx.add.f32.msk $0xffff, v4  }
0x122: {  	[tilespmem:v3+s22+$0x0] =	vst.idx.add.f32.msk $0xffff, v2  }
0x123: {  	v3 =	vld [tilespmem:s29+$0x7560];
	_ =	sdelay $0x4  }
0x124: {  	v3 =	vshll.u32 v3, $0x4  }
0x125: {  	v4 =	vld [tilespmem:s29+$0x2740];
	v3 =	vor.u32 v1, v3;
	_ =	sdelay $0x4  }
0x126: {  	[tilespmem:v3+s21+$0x0] =	vst.idx.add.f32.msk $0xffff, v4  }
0x127: {  	[tilespmem:v3+s22+$0x0] =	vst.idx.add.f32.msk $0xffff, v2  }
0x128: {  	v3 =	vld [tilespmem:s29+$0x7570];
	_ =	sdelay $0x4  }
0x129: {  	v3 =	vshll.u32 v3, $0x4  }
0x12a: {  	v4 =	vld [tilespmem:s29+$0x2750];
	v3 =	vor.u32 v1, v3  }
0x12b: {  	p0 =	sne.s32 s28, $0x9B00  }
.Ltmp3:
0x12c: {  	_ = 	snop;
	(pc) =	sbr.rel @p0 .LBB2_8-.Ltmp3, $3  }
0x12d: {  	_ =	sdelay $0x1  }
0x12e: {  	[tilespmem:v3+s21+$0x0] =	vst.idx.add.f32.msk $0xffff, v4  }
0x12f: {  	s28 =	sadd.s32 $0x140, s28;
	[tilespmem:v3+s22+$0x0] =	vst.idx.add.f32.msk $0xffff, v2  }
0x130: {  	_ =	swait.ge [sflag:s19], $0x2710  }
0x131: {  	[sflag:s19] =	ssyncset.done $0x0  }
0x132: {  	[sflag:s19] =	ssyncadd.s32 $0xFFFFD8F0  }
0x133: {  	_ =	swait.ge [sflag:s20], $0x2710  }
0x134: {  	[sflag:s20] =	ssyncset.done $0x0  }
0x135: {  	s28 =	simm.s32 $0x0;
	[sflag:s20] =	ssyncadd.s32 $0xFFFFD8F0  }
.LBB2_10:
0x136: {  	s29 =	sshra.s32 s28, $0x2  }
0x137: {  	v3 =	vld [tilespmem:s29+$0x4E20];
	_ =	sdelay $0x4  }
0x138: {  	v3 =	vshll.u32 v3, $0x4  }
0x139: {  	v4 =	vld [tilespmem:s29+$0x0];
	v3 =	vor.u32 v1, v3;
	_ =	sdelay $0x4  }
0x13a: {  	[tilespmem:v3+s21+$0x0] =	vst.idx.add.f32.msk $0xffff, v4  }
0x13b: {  	[tilespmem:v3+s22+$0x0] =	vst.idx.add.f32.msk $0xffff, v2  }
0x13c: {  	v3 =	vld [tilespmem:s29+$0x4E30];
	_ =	sdelay $0x4  }
0x13d: {  	v3 =	vshll.u32 v3, $0x4  }
0x13e: {  	v4 =	vld [tilespmem:s29+$0x10];
	v3 =	vor.u32 v1, v3;
	_ =	sdelay $0x4  }
0x13f: {  	[tilespmem:v3+s21+$0x0] =	vst.idx.add.f32.msk $0xffff, v4  }
0x140: {  	[tilespmem:v3+s22+$0x0] =	vst.idx.add.f32.msk $0xffff, v2  }
0x141: {  	v3 =	vld [tilespmem:s29+$0x4E40];
	_ =	sdelay $0x4  }
0x142: {  	v3 =	vshll.u32 v3, $0x4  }
0x143: {  	v4 =	vld [tilespmem:s29+$0x20];
	v3 =	vor.u32 v1, v3;
	_ =	sdelay $0x4  }
0x144: {  	[tilespmem:v3+s21+$0x0] =	vst.idx.add.f32.msk $0xffff, v4  }
0x145: {  	[tilespmem:v3+s22+$0x0] =	vst.idx.add.f32.msk $0xffff, v2  }
0x146: {  	v3 =	vld [tilespmem:s29+$0x4E50];
	_ =	sdelay $0x4  }
0x147: {  	v3 =	vshll.u32 v3, $0x4  }
0x148: {  	v4 =	vld [tilespmem:s29+$0x30];
	v3 =	vor.u32 v1, v3;
	_ =	sdelay $0x4  }
0x149: {  	[tilespmem:v3+s21+$0x0] =	vst.idx.add.f32.msk $0xffff, v4  }
0x14a: {  	[tilespmem:v3+s22+$0x0] =	vst.idx.add.f32.msk $0xffff, v2  }
0x14b: {  	v3 =	vld [tilespmem:s29+$0x4E60];
	_ =	sdelay $0x4  }
0x14c: {  	v3 =	vshll.u32 v3, $0x4  }
0x14d: {  	v4 =	vld [tilespmem:s29+$0x40];
	v3 =	vor.u32 v1, v3  }
0x14e: {  	p0 =	sne.s32 s28, $0x9B00  }
.Ltmp4:
0x14f: {  	_ = 	snop;
	(pc) =	sbr.rel @p0 .LBB2_10-.Ltmp4, $3  }
0x150: {  	_ =	sdelay $0x1  }
0x151: {  	[tilespmem:v3+s21+$0x0] =	vst.idx.add.f32.msk $0xffff, v4  }
0x152: {  	s28 =	sadd.s32 $0x140, s28;
	[tilespmem:v3+s22+$0x0] =	vst.idx.add.f32.msk $0xffff, v2  }
0x153: {  	[hbm4b:s13+s2] =	stream.linear.scatter [tilespmem:s21], [sflag:$0x5], $0x400, $0x38;
	[tilespmem:$0xA440] =	vst v63  }
0x154: {  	s26 =	sadd.s32 $0x1, s26;
	_ =	swait.ge [sflag:s25], $0x400  }
0x155: {  	p0 =	sne.s32 s26, s15;
	[sflag:s25] =	ssyncset.done $0x0  }
.Ltmp5:
0x156: {  	[sflag:s25] =	ssyncadd.s32 $0xFFFFFC00;
	(pc) =	sbr.rel @p0 .LBB2_1-.Ltmp5, $4  }
0x157: {  	[hbm4b:s14+s2] =	stream.linear.scatter [tilespmem:s22], [sflag:$0x5], $0x400, $0x38;
	[tilespmem:$0xA440] =	vst v63  }
0x158: {  	_ =	swait.ge [sflag:s25], $0x400  }
0x159: {  	[sflag:s25] =	ssyncset.done $0x0  }
0x15a: {  	[sflag:s25] =	ssyncadd.s32 $0xFFFFFC00  }
0x15b: {  	_ =	sfence.sel $0x180000  }
0x15c: {  	[bflag:$0x0] =	sbarrier.arrive $0xFFFF  }
0x15d: {  	p0 =	sne.s32 s0, $0x0;
	_ =	strace $0x90000047  }
0x15e: {  	s0 =	sadd.s32 @!p0 $0x100000, s1;
	[bflag:$0x2] =	sbarrier.arrive $0xFFFF  }
0x15f: {  	[sflag:s0] =	ssyncadd.tile.s32 @!p0 $0x1;
	_ =	shalt  }
.Lfunc_end2:
_tile_overlayer_lowered:
.L_overlay_start_2:
0x160: {  	(tag) =	ssettag $0x2  }
0x161: {  	s0 =	rddreg [dreg:$0x0];
	s2 =	stileid.u32  }
0x162: {  	s1 =	rddreg [dreg:$0x1];
	p0 =	sne.s32 s2, $0x0  }
0x163: {  	s3 =	rddreg [dreg:$0x2];
	[bflag:$0x3] =	sbarrier.arrive $0xFFFF;
	s2 =	simm.s32 @!p0 $0x1C05  }
0x164: {  	[timem:s3], [sflag:s2] =	dma.local @!p0 [hbm:s0], s1  }
0x165: {  	s0 =	simm.s32 @!p0 $0x5  }
0x166: {  	_ =	swait.ge @!p0 [sflag:s0], s1  }
0x167: {  	s1 =	ssub.s32 @!p0 $0x0, s1;
	[sflag:s0] =	ssyncset.done @!p0 $0x0  }
0x168: {  	[sflag:s0] =	ssyncadd.s32 @!p0 s1  }
0x169: {  	[bflag:$0x3] =	sbarrier.arrive $0xFFFF  }
0x16a: {  	_ =	shalt  }

</sc_bundles>
